<compile_context>
chip_gen: v7x
topology: tpu7x:2x2x1
jax: 0.10.2.dev20260603
libtpu: 0.0.44.dev20260713+nightly
codegen_flags: <defaults>
</compile_context>

<pallas_src>
import functools

import jax
import jax.numpy as jnp
import numpy as np
from jax import lax
from jax.experimental import pallas as pl
from jax.experimental.pallas import tpu as pltpu
from jax.experimental.pallas import tpu_sc as plsc

N = 10000
E = 160000
NODE = 128
NUM_IRR = 224
SPH = 480
NB = 20
HID = NODE + NUM_IRR * 2

_reps = np.array([1] * 128 + [3] * 64 + [5] * 32)
_col_of = np.repeat(np.arange(NUM_IRR), _reps)
_SEL_TAIL = np.zeros((96, 352), dtype=np.float32)
for _j, _c in enumerate(_col_of[128:]):
    _SEL_TAIL[_c - 128, _j] = 1.0
_SEL2 = np.zeros((192, 704), dtype=np.float32)
_SEL2[:96, :352] = _SEL_TAIL
_SEL2[96:, 352:] = _SEL_TAIL

BN = 1000
BE = 1280
HIDP = 640
SPHP = 512


def _mlp_body(x_ref, xsph_ref, w1_ref, b1_ref, w2_ref, b2_ref, o_ref):
    x = x_ref[...]
    h = jnp.dot(x, w1_ref[...], preferred_element_type=jnp.float32,
                precision=jax.lax.Precision.HIGHEST) + b1_ref[...]
    h = h * jax.nn.sigmoid(h)
    so = jnp.dot(h.astype(jnp.bfloat16), w2_ref[...].astype(jnp.bfloat16),
                 preferred_element_type=jnp.float32) + b2_ref[...]
    pad = jnp.zeros((so.shape[0], HIDP - SPH), jnp.float32)
    hi = jnp.concatenate([xsph_ref[...], pad], axis=1)

    def rnd(u):
        return (u + 0x7FFF + ((u >> 16) & 1)) >> 16

    ulo = rnd(jax.lax.bitcast_convert_type(so, jnp.uint32))
    uhi = rnd(jax.lax.bitcast_convert_type(hi, jnp.uint32))
    o_ref[...] = jax.lax.bitcast_convert_type(ulo | (uhi << 16), jnp.float32)


def _edge_body(gtab_ref, rbf_ref, fcut_ref, rsh_ref,
               wr_ref, br_ref, sel_ref, msg_ref):
    fw = jnp.dot(rbf_ref[...].astype(jnp.bfloat16), wr_ref[...],
                 preferred_element_type=jnp.float32) + br_ref[...]
    fw = fw * fcut_ref[...]
    u = jax.lax.bitcast_convert_type(gtab_ref[...], jnp.uint32)
    gso = jax.lax.bitcast_convert_type(u << 16, jnp.float32)
    gsph = jax.lax.bitcast_convert_type(u & jnp.uint32(0xFFFF0000), jnp.float32)
    fo = gso * fw
    ms = fo[:, 2 * NUM_IRR:HID]
    gtails = jnp.concatenate([fo[:, 128:NUM_IRR], fo[:, NUM_IRR + 128:2 * NUM_IRR]],
                             axis=1).astype(jnp.bfloat16)
    tails = jnp.dot(gtails, sel_ref[...], preferred_element_type=jnp.float32)
    rep_gs = jnp.concatenate([fo[:, :128], tails[:, :352]], axis=1)
    rep_ge = jnp.concatenate([fo[:, NUM_IRR:NUM_IRR + 128], tails[:, 352:]],
                             axis=1)
    msph = gsph[:, :SPH] * rep_gs + rsh_ref[...] * rep_ge
    pad = jnp.zeros((msph.shape[0], HIDP - NODE - SPH), jnp.float32)
    msg_ref[...] = jnp.concatenate([ms, msph, pad], axis=1)


TBW = HIDP


def _mlp(x_scalar, x_spherical, W1, b1, W2, b2):
    return pl.pallas_call(
        _mlp_body,
        grid=(N // BN,),
        in_specs=[
            pl.BlockSpec((BN, NODE), lambda i: (i, 0)),
            pl.BlockSpec((BN, SPH), lambda i: (i, 0)),
            pl.BlockSpec((NODE, NODE), lambda i: (0, 0)),
            pl.BlockSpec((NODE,), lambda i: (0,)),
            pl.BlockSpec((NODE, HIDP), lambda i: (0, 0)),
            pl.BlockSpec((HIDP,), lambda i: (0,)),
        ],
        out_specs=pl.BlockSpec((BN, TBW), lambda i: (i, 0)),
        out_shape=jax.ShapeDtypeStruct((N, TBW), jnp.float32),
    )(x_scalar, x_spherical, W1, b1, W2, b2)


def _edge_math(g_tab, rbf, fcut, rsh, Wr, br, sel, ebase, ecount):
    off = ebase // BE
    return pl.pallas_call(
        _edge_body,
        grid=(ecount // BE,),
        in_specs=[
            pl.BlockSpec((BE, TBW), lambda i: (i, 0)),
            pl.BlockSpec((BE, NB), lambda i: (i + off, 0)),
            pl.BlockSpec((BE, 1), lambda i: (i + off, 0)),
            pl.BlockSpec((BE, SPH), lambda i: (i + off, 0)),
            pl.BlockSpec((NB, HIDP), lambda i: (0, 0)),
            pl.BlockSpec((HIDP,), lambda i: (0,)),
            pl.BlockSpec((192, 704), lambda i: (0, 0)),
        ],
        out_specs=pl.BlockSpec((BE, HIDP), lambda i: (i, 0)),
        out_shape=jax.ShapeDtypeStruct((ecount, HIDP), jnp.float32),
    )(g_tab, rbf, fcut, rsh, Wr, br, sel)


def _combine_body(xs_ref, xsph_ref, parts_ref, ns_ref, nsph_ref):
    p = parts_ref[...]
    q = p[:, 0] + p[:, 1]
    ns_ref[...] = xs_ref[...] + q[0]
    sph = jnp.concatenate([q[1], q[2], q[3], q[4]], axis=1)[:, :SPH]
    nsph_ref[...] = xsph_ref[...] + sph


def _combine(x_scalar, x_spherical, parts):
    return pl.pallas_call(
        _combine_body,
        grid=(N // BN,),
        in_specs=[
            pl.BlockSpec((BN, NODE), lambda i: (i, 0)),
            pl.BlockSpec((BN, SPH), lambda i: (i, 0)),
            pl.BlockSpec((_NPASS, _NC, BN, 128), lambda i: (0, 0, i, 0)),
        ],
        out_specs=[
            pl.BlockSpec((BN, NODE), lambda i: (i, 0)),
            pl.BlockSpec((BN, SPH), lambda i: (i, 0)),
        ],
        out_shape=[
            jax.ShapeDtypeStruct((N, NODE), jnp.float32),
            jax.ShapeDtypeStruct((N, SPH), jnp.float32),
        ],
    )(x_scalar, x_spherical, parts)


_NC, _NS = 2, 16
_NW = _NC * _NS
_EPW = E // _NW
_GCH = 40

def _sc_mesh():
    return plsc.VectorSubcoreMesh(core_axis_name="c", subcore_axis_name="s")




def _gather_body(epw, ebase, tab_hbm, dst_hbm, out_tab,
                 idx_all, buf_a, buf_b, buf_c,
                 gsem_a, gsem_b, gsem_c, wsem_a, wsem_b, wsem_c):
    ngch = epw // _GCH
    wid = lax.axis_index("s") * _NC + lax.axis_index("c")
    base = wid * epw
    pltpu.sync_copy(dst_hbm.at[pl.ds(ebase + base, epw)], idx_all.at[pl.ds(0, epw)])

    def gstart(chunk, buf, gsem):
        off = pl.multiple_of(chunk * _GCH, 8)
        pltpu.async_copy(tab_hbm.at[idx_all.at[pl.ds(off, _GCH)]], buf, gsem)

    def gwait(buf, gsem):
        pltpu.make_async_copy(tab_hbm.at[pl.ds(0, _GCH)], buf, gsem).wait()

    def wstart(chunk, buf, wsem):
        cb = pl.multiple_of(base + chunk * _GCH, 8)
        pltpu.async_copy(buf, out_tab.at[pl.ds(cb, _GCH)], wsem)

    def wwait(buf, wsem):
        pltpu.make_async_copy(buf, out_tab.at[pl.ds(0, _GCH)], wsem).wait()

    gstart(0, buf_a, gsem_a)
    gstart(1, buf_b, gsem_b)
    gstart(2, buf_c, gsem_c)

    def tri(j, carry):
        gwait(buf_a, gsem_a)
        wstart(3 * j, buf_a, wsem_a)

        @pl.when(3 * j + 1 < ngch)
        def _():
            gwait(buf_b, gsem_b)
            wstart(3 * j + 1, buf_b, wsem_b)

        @pl.when(3 * j + 3 < ngch)
        def _():
            wwait(buf_a, wsem_a)
            gstart(3 * j + 3, buf_a, gsem_a)

        @pl.when(3 * j + 2 < ngch)
        def _():
            gwait(buf_c, gsem_c)
            wstart(3 * j + 2, buf_c, wsem_c)

        @pl.when(3 * j + 4 < ngch)
        def _():
            wwait(buf_b, wsem_b)
            gstart(3 * j + 4, buf_b, gsem_b)

        @pl.when(3 * j + 5 < ngch)
        def _():
            wwait(buf_c, wsem_c)
            gstart(3 * j + 5, buf_c, gsem_c)

        return carry

    lax.fori_loop(0, (ngch + 2) // 3, tri, 0)
    wwait(buf_a, wsem_a)
    wwait(buf_b, wsem_b)
    wwait(buf_c, wsem_c)


def _sc_gather(table, dst, ebase, ecount):
    return pl.kernel(
        functools.partial(_gather_body, ecount // _NW, ebase),
        out_type=jax.ShapeDtypeStruct((ecount, TBW), jnp.float32),
        mesh=_sc_mesh(),
        scratch_types=[
            pltpu.VMEM((_EPW,), jnp.int32),
            pltpu.VMEM((_GCH, TBW), jnp.float32),
            pltpu.VMEM((_GCH, TBW), jnp.float32),
            pltpu.VMEM((_GCH, TBW), jnp.float32),
            pltpu.SemaphoreType.DMA,
            pltpu.SemaphoreType.DMA,
            pltpu.SemaphoreType.DMA,
            pltpu.SemaphoreType.DMA,
            pltpu.SemaphoreType.DMA,
            pltpu.SemaphoreType.DMA,
        ],
    )(table, dst)


_SCH = 128
_NPASS = HIDP // 128
_NFULL = _EPW // _SCH
_REM = _EPW - _NFULL * _SCH
_EPC = E // _NC


def _scatter_body(msg_hbm, src_hbm, zeros_hbm, out_hbm,
                  idx_a, idx_b, idx_r, msg_a, msg_b, msg_r,
                  acc_sh, sem_a, sem_b):
    c = lax.axis_index("c")
    s = lax.axis_index("s")
    ebase = c * _EPC + s * _EPW

    def start(j, idx_v, msg_v, sem, col):
        eb = pl.multiple_of(ebase + j * _SCH, 8)
        pltpu.async_copy(src_hbm.at[pl.ds(eb, _SCH)], idx_v, sem)
        pltpu.async_copy(msg_hbm.at[pl.ds(eb, _SCH), pl.ds(col, 128)],
                         msg_v, sem)

    def wait_and_scatter(idx_v, msg_v, sem, col):
        pltpu.make_async_copy(src_hbm.at[pl.ds(0, _SCH)], idx_v, sem).wait()
        pltpu.make_async_copy(msg_hbm.at[pl.ds(0, _SCH), pl.ds(col, 128)],
                              msg_v, sem).wait()
        pltpu.sync_copy(msg_v, acc_sh.at[idx_v], add=True)

    def one_pass(p, carry):
        col = pl.multiple_of(p * 128, 128)
        @pl.when(s < _NS - 1)
        def _():
            pltpu.sync_copy(zeros_hbm.at[pl.ds(0, 624)],
                            acc_sh.at[pl.ds(s * 624, 624)])

        @pl.when(s == _NS - 1)
        def _():
            pltpu.sync_copy(zeros_hbm.at[pl.ds(0, 640)],
                            acc_sh.at[pl.ds(9360, 640)])

        plsc.subcore_barrier()

        start(0, idx_a, msg_a, sem_a, col)

        def pair(j, carry2):
            @pl.when(2 * j + 1 < _NFULL)
            def _():
                start(2 * j + 1, idx_b, msg_b, sem_b, col)

            wait_and_scatter(idx_a, msg_a, sem_a, col)

            @pl.when(2 * j + 2 < _NFULL)
            def _():
                start(2 * j + 2, idx_a, msg_a, sem_a, col)

            @pl.when(2 * j + 1 < _NFULL)
            def _():
                wait_and_scatter(idx_b, msg_b, sem_b, col)

            return carry2

        lax.fori_loop(0, (_NFULL + 1) // 2, pair, 0)

        rb = pl.multiple_of(ebase + _NFULL * _SCH, 8)
        pltpu.sync_copy(src_hbm.at[pl.ds(rb, _REM)], idx_r)
        pltpu.sync_copy(msg_hbm.at[pl.ds(rb, _REM), pl.ds(col, 128)], msg_r)
        pltpu.sync_copy(msg_r, acc_sh.at[idx_r], add=True)
        plsc.subcore_barrier()

        @pl.when(s < _NS - 1)
        def _():
            pltpu.sync_copy(acc_sh.at[pl.ds(s * 624, 624)],
                            out_hbm.at[p, c].at[pl.ds(s * 624, 624)])

        @pl.when(s == _NS - 1)
        def _():
            pltpu.sync_copy(acc_sh.at[pl.ds(9360, 640)],
                            out_hbm.at[p, c].at[pl.ds(9360, 640)])

        plsc.subcore_barrier()
        return carry

    lax.fori_loop(0, _NPASS, one_pass, 0)


def _sc_scatter(msg, src, zeros):
    return pl.kernel(
        _scatter_body,
        out_type=jax.ShapeDtypeStruct((_NPASS, _NC, N, 128), jnp.float32),
        mesh=_sc_mesh(),
        scratch_types=[
            pltpu.VMEM((_SCH,), jnp.int32),
            pltpu.VMEM((_SCH,), jnp.int32),
            pltpu.VMEM((_REM,), jnp.int32),
            pltpu.VMEM((_SCH, 128), jnp.float32),
            pltpu.VMEM((_SCH, 128), jnp.float32),
            pltpu.VMEM((_REM, 128), jnp.float32),
            pltpu.VMEM_SHARED((N, 128), jnp.float32),
            pltpu.SemaphoreType.DMA,
            pltpu.SemaphoreType.DMA,
        ],
    )(msg, src, zeros)


def kernel(x_scalar, x_spherical, rbf, fcut, rsh, edge_index, W1, b1, W2, b2, Wr, br):
    W2p = jnp.pad(W2, ((0, 0), (0, HIDP - HID)))
    b2p = jnp.pad(b2, (0, HIDP - HID))
    Wrp = jnp.pad(Wr, ((0, 0), (0, HIDP - HID)))
    brp = jnp.pad(br, (0, HIDP - HID))
    table = _mlp(x_scalar, x_spherical, W1, b1, W2p, b2p)
    sel2 = jnp.asarray(_SEL2).astype(jnp.bfloat16)
    dst = edge_index[1]
    src = edge_index[0]
    g_tab = _sc_gather(table, dst, 0, E)
    msg = _edge_math(g_tab, rbf, fcut, rsh, Wrp.astype(jnp.bfloat16), brp, sel2,
                     0, E)
    zeros = jnp.zeros((640, 128), jnp.float32)
    parts = _sc_scatter(msg, src, zeros)
    return tuple(_combine(x_scalar, x_spherical, parts))

# --- scband reference (transcript-rebuilt; emitter-appended) ---
"""Pipeline reference for scband-painn-message-23313082483620 (READ-ONLY COPY).

The authoritative reference and input builder live on the scoring server;
editing this copy changes nothing except your own understanding.
"""

import jax, jax.numpy as jnp
import numpy as np

N = 10000
E = 160000
NODE = 128
NUM_IRR = 224  # 128 + 64 + 32
SPH = 480      # 128*1 + 64*3 + 32*5
NB = 20
HID = NODE + NUM_IRR * 2  # 576
REPS = np.array([1] * 128 + [3] * 64 + [5] * 32)  # per-irrep dims


def _rsh_conv(sph, gate):
    # ElementwiseTensorProduct(edge_irreps, '224x0e'): each irrep copy scaled by its scalar
    g = jnp.repeat(gate, jnp.asarray(REPS), axis=-1, total_repeat_length=SPH)
    return sph * g


def setup_inputs(seed: int = 0) -> dict:
    key = jax.random.key(seed)
    ks = jax.random.split(key, 10)
    x_scalar = jax.random.normal(ks[0], (N, NODE), dtype=jnp.float32)
    x_spherical = jax.random.normal(ks[1], (N, SPH), dtype=jnp.float32)
    rbf = jax.random.uniform(ks[2], (E, NB), dtype=jnp.float32)
    fcut = jax.random.uniform(ks[3], (E, 1), dtype=jnp.float32)
    rsh = jax.random.normal(ks[4], (E, SPH), dtype=jnp.float32)
    edge_index = jax.random.randint(ks[5], (2, E), 0, N, dtype=jnp.int32)
    W1 = jax.random.normal(ks[6], (NODE, NODE), dtype=jnp.float32) / np.sqrt(NODE)
    b1 = jnp.zeros((NODE,), dtype=jnp.float32)
    W2 = jax.random.normal(ks[7], (NODE, HID), dtype=jnp.float32) / np.sqrt(NODE)
    b2 = jnp.zeros((HID,), dtype=jnp.float32)
    Wr = jax.random.normal(ks[8], (NB, HID), dtype=jnp.float32) / np.sqrt(NB)
    br = jnp.zeros((HID,), dtype=jnp.float32)
    return {"x_scalar": x_scalar, "x_spherical": x_spherical, "rbf": rbf,
            "fcut": fcut, "rsh": rsh, "edge_index": edge_index,
            "W1": W1, "b1": b1, "W2": W2, "b2": b2, "Wr": Wr, "br": br}


def reference(x_scalar, x_spherical, rbf, fcut, rsh, edge_index, W1, b1, W2, b2, Wr, br):
    scalar_out = jax.nn.silu(x_scalar @ W1 + b1) @ W2 + b2            # [N, HID]
    filter_weight = (rbf @ Wr + br) * fcut                            # [E, HID]
    filter_out = jnp.take(scalar_out, edge_index[1], axis=0) * filter_weight  # [E, HID]
    gate_state = filter_out[:, :NUM_IRR]
    gate_edge = filter_out[:, NUM_IRR:2 * NUM_IRR]
    message_scalar = filter_out[:, 2 * NUM_IRR:]
    message_spherical = _rsh_conv(jnp.take(x_spherical, edge_index[1], axis=0), gate_state)
    edge_spherical = _rsh_conv(rsh, gate_edge)
    message_spherical = message_spherical + edge_spherical
    new_scalar = x_scalar + jax.ops.segment_sum(message_scalar, edge_index[0], num_segments=N)
    new_spherical = x_spherical + jax.ops.segment_sum(message_spherical, edge_index[0], num_segments=N)
    return (new_scalar, new_spherical)

if __name__ == "__main__":
    import jax
    _d = setup_inputs()
    print(jax.jit(kernel)(*tuple(_d.values())))

</pallas_src>

<mosaic_0001>
#map = affine_map<(d0, d1) -> (0, 0)>
#map1 = affine_map<(d0, d1) -> (0)>
module attributes {stable_mosaic.version = 14 : i64} {
  func.func @_gather_body(%arg0: i32, %arg1: i32, %arg2: memref<10000x640xf32, #tpu.memory_space<hbm>>, %arg3: memref<160000xi32, #tpu.memory_space<hbm>>, %arg4: memref<160000x640xf32, #tpu.memory_space<hbm>>, %arg5: memref<5000xi32, #tpu.memory_space<vmem>>, %arg6: memref<40x640xf32, #tpu.memory_space<vmem>>, %arg7: memref<40x640xf32, #tpu.memory_space<vmem>>, %arg8: memref<40x640xf32, #tpu.memory_space<vmem>>, %arg9: memref<!tpu.dma_semaphore, #tpu.memory_space<semaphore_mem>>, %arg10: memref<!tpu.dma_semaphore, #tpu.memory_space<semaphore_mem>>, %arg11: memref<!tpu.dma_semaphore, #tpu.memory_space<semaphore_mem>>, %arg12: memref<!tpu.dma_semaphore, #tpu.memory_space<semaphore_mem>>, %arg13: memref<!tpu.dma_semaphore, #tpu.memory_space<semaphore_mem>>, %arg14: memref<!tpu.dma_semaphore, #tpu.memory_space<semaphore_mem>>) attributes {dimension_semantics = [#tpu.dimension_semantics<core_parallel>, #tpu.dimension_semantics<subcore_parallel>], iteration_bounds = array<i64: 2, 16>, scalar_prefetch = 0 : i64, scratch_operands = 10 : i64, tpu.core_type = #tpu.core_type<sc_vector_subcore>, window_params = [{transform_indices = #map}, {transform_indices = #map1}, {transform_indices = #map}]} {
    %mul3A = arith.constant 2 : i32
    %mul3A_0 = arith.muli %arg1, %mul3A : i32
    %add3A = arith.addi %mul3A_0, %arg0 : i32
    %mul3A_1 = arith.constant 5000 : i32
    %mul3A_2 = arith.muli %add3A, %mul3A_1 : i32
    %add3A_3 = arith.constant 0 : i32
    %add3A_4 = arith.addi %add3A_3, %mul3A_2 : i32
    "tpu.region"() ({
      %run_scoped3A = tpu.sem_alloc : memref<!tpu.dma_semaphore, #tpu.memory_space<semaphore_mem>>
      %dma_start3A_43 = arith.constant 0 : i32
      %dma_start3A_44 = tpu.memref_slice %arg5[%dma_start3A_43] : memref<5000xi32, #tpu.memory_space<vmem>> -> memref<5000xi32, #tpu.memory_space<vmem>>
      %dma_start3A_45 = tpu.memref_slice %arg3[%add3A_4] : memref<160000xi32, #tpu.memory_space<hbm>> -> memref<5000xi32, #tpu.memory_space<hbm>>
      %dma_start3A_46 = arith.constant 0 : i32
      %dma_start3A_47 = tpu.memref_slice %arg5[%dma_start3A_46] : memref<5000xi32, #tpu.memory_space<vmem>> -> memref<5000xi32, #tpu.memory_space<vmem>>
      %dma_start3A_48 = tpu.memref_slice %arg3[%add3A_4] : memref<160000xi32, #tpu.memory_space<hbm>> -> memref<5000xi32, #tpu.memory_space<hbm>>
      tpu.enqueue_dma source(%dma_start3A_48 : memref<5000xi32, #tpu.memory_space<hbm>>) target(%dma_start3A_47 : memref<5000xi32, #tpu.memory_space<vmem>>) target_semaphore(%run_scoped3A : memref<!tpu.dma_semaphore, #tpu.memory_space<semaphore_mem>>)
      %dma_wait3A_49 = arith.constant 0 : i32
      %dma_wait3A_50 = tpu.memref_slice %arg5[%dma_wait3A_49] : memref<5000xi32, #tpu.memory_space<vmem>> -> memref<5000xi32, #tpu.memory_space<vmem>>
      %dma_wait3A_51 = tpu.memref_slice %arg3[%add3A_4] : memref<160000xi32, #tpu.memory_space<hbm>> -> memref<5000xi32, #tpu.memory_space<hbm>>
      %dma_wait3A_52 = arith.constant 0 : i32
      %dma_wait3A_53 = tpu.memref_slice %arg5[%dma_wait3A_52] : memref<5000xi32, #tpu.memory_space<vmem>> -> memref<5000xi32, #tpu.memory_space<vmem>>
      %dma_wait3A_54 = tpu.memref_slice %arg3[%add3A_4] : memref<160000xi32, #tpu.memory_space<hbm>> -> memref<5000xi32, #tpu.memory_space<hbm>>
      tpu.wait_dma2 semaphore(%run_scoped3A : memref<!tpu.dma_semaphore, #tpu.memory_space<semaphore_mem>>) src(%dma_wait3A_54 : memref<5000xi32, #tpu.memory_space<hbm>>) dst(%dma_wait3A_53 : memref<5000xi32, #tpu.memory_space<vmem>>)
      tpu.yield
    }) : () -> ()
    %multiple_of3A = arith.constant 0 : i32
    %multiple_of3A_5 = tpu.assume_multiple %multiple_of3A, 8 : i32
    %dma_start3A = tpu.memref_slice %arg5[%multiple_of3A_5] : memref<5000xi32, #tpu.memory_space<vmem>> -> memref<40xi32, #tpu.memory_space<vmem>>
    %dma_start3A_6 = arith.constant 0 : i32
    %dma_start3A_7 = arith.constant 0 : i32
    %dma_start3A_8 = tpu.memref_slice %arg2[%dma_start3A_6, %dma_start3A_7] : memref<10000x640xf32, #tpu.memory_space<hbm>> -> memref<10000x640xf32, #tpu.memory_space<hbm>>
    tpu.enqueue_indirect_dma source(%dma_start3A_8 : memref<10000x640xf32, #tpu.memory_space<hbm>>) target(%arg6 : memref<40x640xf32, #tpu.memory_space<vmem>>) offsets(%dma_start3A : memref<40xi32, #tpu.memory_space<vmem>>) semaphore(%arg9 : memref<!tpu.dma_semaphore, #tpu.memory_space<semaphore_mem>>)
    %multiple_of3A_9 = arith.constant 40 : i32
    %multiple_of3A_10 = tpu.assume_multiple %multiple_of3A_9, 8 : i32
    %dma_start3A_11 = tpu.memref_slice %arg5[%multiple_of3A_10] : memref<5000xi32, #tpu.memory_space<vmem>> -> memref<40xi32, #tpu.memory_space<vmem>>
    %dma_start3A_12 = arith.constant 0 : i32
    %dma_start3A_13 = arith.constant 0 : i32
    %dma_start3A_14 = tpu.memref_slice %arg2[%dma_start3A_12, %dma_start3A_13] : memref<10000x640xf32, #tpu.memory_space<hbm>> -> memref<10000x640xf32, #tpu.memory_space<hbm>>
    tpu.enqueue_indirect_dma source(%dma_start3A_14 : memref<10000x640xf32, #tpu.memory_space<hbm>>) target(%arg7 : memref<40x640xf32, #tpu.memory_space<vmem>>) offsets(%dma_start3A_11 : memref<40xi32, #tpu.memory_space<vmem>>) semaphore(%arg10 : memref<!tpu.dma_semaphore, #tpu.memory_space<semaphore_mem>>)
    %multiple_of3A_15 = arith.constant 80 : i32
    %multiple_of3A_16 = tpu.assume_multiple %multiple_of3A_15, 8 : i32
    %dma_start3A_17 = tpu.memref_slice %arg5[%multiple_of3A_16] : memref<5000xi32, #tpu.memory_space<vmem>> -> memref<40xi32, #tpu.memory_space<vmem>>
    %dma_start3A_18 = arith.constant 0 : i32
    %dma_start3A_19 = arith.constant 0 : i32
    %dma_start3A_20 = tpu.memref_slice %arg2[%dma_start3A_18, %dma_start3A_19] : memref<10000x640xf32, #tpu.memory_space<hbm>> -> memref<10000x640xf32, #tpu.memory_space<hbm>>
    tpu.enqueue_indirect_dma source(%dma_start3A_20 : memref<10000x640xf32, #tpu.memory_space<hbm>>) target(%arg8 : memref<40x640xf32, #tpu.memory_space<vmem>>) offsets(%dma_start3A_17 : memref<40xi32, #tpu.memory_space<vmem>>) semaphore(%arg11 : memref<!tpu.dma_semaphore, #tpu.memory_space<semaphore_mem>>)
    %scan3A = arith.constant 0 : i32
    %scan3A_21 = arith.constant 0 : i32
    %scan3A_22 = arith.constant 42 : i32
    %scan3A_23 = arith.addi %scan3A_21, %scan3A_22 : i32
    %scan3A_24 = arith.constant 1 : i32
    scf.for %scan3A_43 = %scan3A_21 to %scan3A_23 step %scan3A_24  : i32 {
      %dma_wait3A_44 = arith.constant 0 : i32
      %dma_wait3A_45 = arith.constant 0 : i32
      %dma_wait3A_46 = tpu.memref_slice %arg2[%dma_wait3A_44, %dma_wait3A_45] : memref<10000x640xf32, #tpu.memory_space<hbm>> -> memref<40x640xf32, #tpu.memory_space<hbm>>
      %dma_wait3A_47 = arith.constant 0 : i32
      %dma_wait3A_48 = arith.constant 0 : i32
      %dma_wait3A_49 = tpu.memref_slice %arg2[%dma_wait3A_47, %dma_wait3A_48] : memref<10000x640xf32, #tpu.memory_space<hbm>> -> memref<40x640xf32, #tpu.memory_space<hbm>>
      tpu.wait_dma2 semaphore(%arg9 : memref<!tpu.dma_semaphore, #tpu.memory_space<semaphore_mem>>) src(%dma_wait3A_49 : memref<40x640xf32, #tpu.memory_space<hbm>>) dst(%arg6 : memref<40x640xf32, #tpu.memory_space<vmem>>)
      %mul3A_50 = arith.constant 3 : i32
      %mul3A_51 = arith.muli %mul3A_50, %scan3A_43 : i32
      %mul3A_52 = arith.constant 40 : i32
      %mul3A_53 = arith.muli %mul3A_51, %mul3A_52 : i32
      %add3A_54 = arith.addi %mul3A_2, %mul3A_53 : i32
      %multiple_of3A_55 = tpu.assume_multiple %add3A_54, 8 : i32
      %dma_start3A_56 = arith.constant 0 : i32
      %dma_start3A_57 = tpu.memref_slice %arg4[%multiple_of3A_55, %dma_start3A_56] : memref<160000x640xf32, #tpu.memory_space<hbm>> -> memref<40x640xf32, #tpu.memory_space<hbm>>
      %dma_start3A_58 = arith.constant 0 : i32
      %dma_start3A_59 = tpu.memref_slice %arg4[%multiple_of3A_55, %dma_start3A_58] : memref<160000x640xf32, #tpu.memory_space<hbm>> -> memref<40x640xf32, #tpu.memory_space<hbm>>
      tpu.enqueue_dma source(%arg6 : memref<40x640xf32, #tpu.memory_space<vmem>>) target(%dma_start3A_59 : memref<40x640xf32, #tpu.memory_space<hbm>>) target_semaphore(%arg12 : memref<!tpu.dma_semaphore, #tpu.memory_space<semaphore_mem>>)
      %mul3A_60 = arith.constant 3 : i32
      %mul3A_61 = arith.muli %mul3A_60, %scan3A_43 : i32
      %add3A_62 = arith.constant 1 : i32
      %add3A_63 = arith.addi %mul3A_61, %add3A_62 : i32
      %lt3A = arith.constant 125 : i32
      %lt3A_64 = arith.cmpi slt, %add3A_63, %lt3A : i32
      %convert_element_type3A = arith.extui %lt3A_64 : i1 to i32
      %cond3A = arith.constant 0 : i32
      %cond3A_65 = arith.cmpi ne, %convert_element_type3A, %cond3A : i32
      scf.if %cond3A_65 {
        %dma_wait3A_102 = arith.constant 0 : i32
        %dma_wait3A_103 = arith.constant 0 : i32
        %dma_wait3A_104 = tpu.memref_slice %arg2[%dma_wait3A_102, %dma_wait3A_103] : memref<10000x640xf32, #tpu.memory_space<hbm>> -> memref<40x640xf32, #tpu.memory_space<hbm>>
        %dma_wait3A_105 = arith.constant 0 : i32
        %dma_wait3A_106 = arith.constant 0 : i32
        %dma_wait3A_107 = tpu.memref_slice %arg2[%dma_wait3A_105, %dma_wait3A_106] : memref<10000x640xf32, #tpu.memory_space<hbm>> -> memref<40x640xf32, #tpu.memory_space<hbm>>
        tpu.wait_dma2 semaphore(%arg10 : memref<!tpu.dma_semaphore, #tpu.memory_space<semaphore_mem>>) src(%dma_wait3A_107 : memref<40x640xf32, #tpu.memory_space<hbm>>) dst(%arg7 : memref<40x640xf32, #tpu.memory_space<vmem>>)
        %mul3A_108 = arith.constant 3 : i32
        %mul3A_109 = arith.muli %mul3A_108, %scan3A_43 : i32
        %add3A_110 = arith.constant 1 : i32
        %add3A_111 = arith.addi %mul3A_109, %add3A_110 : i32
        %mul3A_112 = arith.constant 40 : i32
        %mul3A_113 = arith.muli %add3A_111, %mul3A_112 : i32
        %add3A_114 = arith.addi %mul3A_2, %mul3A_113 : i32
        %multiple_of3A_115 = tpu.assume_multiple %add3A_114, 8 : i32
        %dma_start3A_116 = arith.constant 0 : i32
        %dma_start3A_117 = tpu.memref_slice %arg4[%multiple_of3A_115, %dma_start3A_116] : memref<160000x640xf32, #tpu.memory_space<hbm>> -> memref<40x640xf32, #tpu.memory_space<hbm>>
        %dma_start3A_118 = arith.constant 0 : i32
        %dma_start3A_119 = tpu.memref_slice %arg4[%multiple_of3A_115, %dma_start3A_118] : memref<160000x640xf32, #tpu.memory_space<hbm>> -> memref<40x640xf32, #tpu.memory_space<hbm>>
        tpu.enqueue_dma source(%arg7 : memref<40x640xf32, #tpu.memory_space<vmem>>) target(%dma_start3A_119 : memref<40x640xf32, #tpu.memory_space<hbm>>) target_semaphore(%arg13 : memref<!tpu.dma_semaphore, #tpu.memory_space<semaphore_mem>>)
      } else {
      }
      %mul3A_66 = arith.constant 3 : i32
      %mul3A_67 = arith.muli %mul3A_66, %scan3A_43 : i32
      %add3A_68 = arith.constant 3 : i32
      %add3A_69 = arith.addi %mul3A_67, %add3A_68 : i32
      %lt3A_70 = arith.constant 125 : i32
      %lt3A_71 = arith.cmpi slt, %add3A_69, %lt3A_70 : i32
      %convert_element_type3A_72 = arith.extui %lt3A_71 : i1 to i32
      %cond3A_73 = arith.constant 0 : i32
      %cond3A_74 = arith.cmpi ne, %convert_element_type3A_72, %cond3A_73 : i32
      scf.if %cond3A_74 {
        %dma_wait3A_102 = arith.constant 0 : i32
        %dma_wait3A_103 = arith.constant 0 : i32
        %dma_wait3A_104 = tpu.memref_slice %arg4[%dma_wait3A_102, %dma_wait3A_103] : memref<160000x640xf32, #tpu.memory_space<hbm>> -> memref<40x640xf32, #tpu.memory_space<hbm>>
        %dma_wait3A_105 = arith.constant 0 : i32
        %dma_wait3A_106 = arith.constant 0 : i32
        %dma_wait3A_107 = tpu.memref_slice %arg4[%dma_wait3A_105, %dma_wait3A_106] : memref<160000x640xf32, #tpu.memory_space<hbm>> -> memref<40x640xf32, #tpu.memory_space<hbm>>
        tpu.wait_dma2 semaphore(%arg12 : memref<!tpu.dma_semaphore, #tpu.memory_space<semaphore_mem>>) src(%arg6 : memref<40x640xf32, #tpu.memory_space<vmem>>) dst(%dma_wait3A_107 : memref<40x640xf32, #tpu.memory_space<hbm>>)
        %mul3A_108 = arith.constant 3 : i32
        %mul3A_109 = arith.muli %mul3A_108, %scan3A_43 : i32
        %add3A_110 = arith.constant 3 : i32
        %add3A_111 = arith.addi %mul3A_109, %add3A_110 : i32
        %mul3A_112 = arith.constant 40 : i32
        %mul3A_113 = arith.muli %add3A_111, %mul3A_112 : i32
        %multiple_of3A_114 = tpu.assume_multiple %mul3A_113, 8 : i32
        %dma_start3A_115 = tpu.memref_slice %arg5[%multiple_of3A_114] : memref<5000xi32, #tpu.memory_space<vmem>> -> memref<40xi32, #tpu.memory_space<vmem>>
        %dma_start3A_116 = arith.constant 0 : i32
        %dma_start3A_117 = arith.constant 0 : i32
        %dma_start3A_118 = tpu.memref_slice %arg2[%dma_start3A_116, %dma_start3A_117] : memref<10000x640xf32, #tpu.memory_space<hbm>> -> memref<10000x640xf32, #tpu.memory_space<hbm>>
        tpu.enqueue_indirect_dma source(%dma_start3A_118 : memref<10000x640xf32, #tpu.memory_space<hbm>>) target(%arg6 : memref<40x640xf32, #tpu.memory_space<vmem>>) offsets(%dma_start3A_115 : memref<40xi32, #tpu.memory_space<vmem>>) semaphore(%arg9 : memref<!tpu.dma_semaphore, #tpu.memory_space<semaphore_mem>>)
      } else {
      }
      %mul3A_75 = arith.constant 3 : i32
      %mul3A_76 = arith.muli %mul3A_75, %scan3A_43 : i32
      %add3A_77 = arith.constant 2 : i32
      %add3A_78 = arith.addi %mul3A_76, %add3A_77 : i32
      %lt3A_79 = arith.constant 125 : i32
      %lt3A_80 = arith.cmpi slt, %add3A_78, %lt3A_79 : i32
      %convert_element_type3A_81 = arith.extui %lt3A_80 : i1 to i32
      %cond3A_82 = arith.constant 0 : i32
      %cond3A_83 = arith.cmpi ne, %convert_element_type3A_81, %cond3A_82 : i32
      scf.if %cond3A_83 {
        %dma_wait3A_102 = arith.constant 0 : i32
        %dma_wait3A_103 = arith.constant 0 : i32
        %dma_wait3A_104 = tpu.memref_slice %arg2[%dma_wait3A_102, %dma_wait3A_103] : memref<10000x640xf32, #tpu.memory_space<hbm>> -> memref<40x640xf32, #tpu.memory_space<hbm>>
        %dma_wait3A_105 = arith.constant 0 : i32
        %dma_wait3A_106 = arith.constant 0 : i32
        %dma_wait3A_107 = tpu.memref_slice %arg2[%dma_wait3A_105, %dma_wait3A_106] : memref<10000x640xf32, #tpu.memory_space<hbm>> -> memref<40x640xf32, #tpu.memory_space<hbm>>
        tpu.wait_dma2 semaphore(%arg11 : memref<!tpu.dma_semaphore, #tpu.memory_space<semaphore_mem>>) src(%dma_wait3A_107 : memref<40x640xf32, #tpu.memory_space<hbm>>) dst(%arg8 : memref<40x640xf32, #tpu.memory_space<vmem>>)
        %mul3A_108 = arith.constant 3 : i32
        %mul3A_109 = arith.muli %mul3A_108, %scan3A_43 : i32
        %add3A_110 = arith.constant 2 : i32
        %add3A_111 = arith.addi %mul3A_109, %add3A_110 : i32
        %mul3A_112 = arith.constant 40 : i32
        %mul3A_113 = arith.muli %add3A_111, %mul3A_112 : i32
        %add3A_114 = arith.addi %mul3A_2, %mul3A_113 : i32
        %multiple_of3A_115 = tpu.assume_multiple %add3A_114, 8 : i32
        %dma_start3A_116 = arith.constant 0 : i32
        %dma_start3A_117 = tpu.memref_slice %arg4[%multiple_of3A_115, %dma_start3A_116] : memref<160000x640xf32, #tpu.memory_space<hbm>> -> memref<40x640xf32, #tpu.memory_space<hbm>>
        %dma_start3A_118 = arith.constant 0 : i32
        %dma_start3A_119 = tpu.memref_slice %arg4[%multiple_of3A_115, %dma_start3A_118] : memref<160000x640xf32, #tpu.memory_space<hbm>> -> memref<40x640xf32, #tpu.memory_space<hbm>>
        tpu.enqueue_dma source(%arg8 : memref<40x640xf32, #tpu.memory_space<vmem>>) target(%dma_start3A_119 : memref<40x640xf32, #tpu.memory_space<hbm>>) target_semaphore(%arg14 : memref<!tpu.dma_semaphore, #tpu.memory_space<semaphore_mem>>)
      } else {
      }
      %mul3A_84 = arith.constant 3 : i32
      %mul3A_85 = arith.muli %mul3A_84, %scan3A_43 : i32
      %add3A_86 = arith.constant 4 : i32
      %add3A_87 = arith.addi %mul3A_85, %add3A_86 : i32
      %lt3A_88 = arith.constant 125 : i32
      %lt3A_89 = arith.cmpi slt, %add3A_87, %lt3A_88 : i32
      %convert_element_type3A_90 = arith.extui %lt3A_89 : i1 to i32
      %cond3A_91 = arith.constant 0 : i32
      %cond3A_92 = arith.cmpi ne, %convert_element_type3A_90, %cond3A_91 : i32
      scf.if %cond3A_92 {
        %dma_wait3A_102 = arith.constant 0 : i32
        %dma_wait3A_103 = arith.constant 0 : i32
        %dma_wait3A_104 = tpu.memref_slice %arg4[%dma_wait3A_102, %dma_wait3A_103] : memref<160000x640xf32, #tpu.memory_space<hbm>> -> memref<40x640xf32, #tpu.memory_space<hbm>>
        %dma_wait3A_105 = arith.constant 0 : i32
        %dma_wait3A_106 = arith.constant 0 : i32
        %dma_wait3A_107 = tpu.memref_slice %arg4[%dma_wait3A_105, %dma_wait3A_106] : memref<160000x640xf32, #tpu.memory_space<hbm>> -> memref<40x640xf32, #tpu.memory_space<hbm>>
        tpu.wait_dma2 semaphore(%arg13 : memref<!tpu.dma_semaphore, #tpu.memory_space<semaphore_mem>>) src(%arg7 : memref<40x640xf32, #tpu.memory_space<vmem>>) dst(%dma_wait3A_107 : memref<40x640xf32, #tpu.memory_space<hbm>>)
        %mul3A_108 = arith.constant 3 : i32
        %mul3A_109 = arith.muli %mul3A_108, %scan3A_43 : i32
        %add3A_110 = arith.constant 4 : i32
        %add3A_111 = arith.addi %mul3A_109, %add3A_110 : i32
        %mul3A_112 = arith.constant 40 : i32
        %mul3A_113 = arith.muli %add3A_111, %mul3A_112 : i32
        %multiple_of3A_114 = tpu.assume_multiple %mul3A_113, 8 : i32
        %dma_start3A_115 = tpu.memref_slice %arg5[%multiple_of3A_114] : memref<5000xi32, #tpu.memory_space<vmem>> -> memref<40xi32, #tpu.memory_space<vmem>>
        %dma_start3A_116 = arith.constant 0 : i32
        %dma_start3A_117 = arith.constant 0 : i32
        %dma_start3A_118 = tpu.memref_slice %arg2[%dma_start3A_116, %dma_start3A_117] : memref<10000x640xf32, #tpu.memory_space<hbm>> -> memref<10000x640xf32, #tpu.memory_space<hbm>>
        tpu.enqueue_indirect_dma source(%dma_start3A_118 : memref<10000x640xf32, #tpu.memory_space<hbm>>) target(%arg7 : memref<40x640xf32, #tpu.memory_space<vmem>>) offsets(%dma_start3A_115 : memref<40xi32, #tpu.memory_space<vmem>>) semaphore(%arg10 : memref<!tpu.dma_semaphore, #tpu.memory_space<semaphore_mem>>)
      } else {
      }
      %mul3A_93 = arith.constant 3 : i32
      %mul3A_94 = arith.muli %mul3A_93, %scan3A_43 : i32
      %add3A_95 = arith.constant 5 : i32
      %add3A_96 = arith.addi %mul3A_94, %add3A_95 : i32
      %lt3A_97 = arith.constant 125 : i32
      %lt3A_98 = arith.cmpi slt, %add3A_96, %lt3A_97 : i32
      %convert_element_type3A_99 = arith.extui %lt3A_98 : i1 to i32
      %cond3A_100 = arith.constant 0 : i32
      %cond3A_101 = arith.cmpi ne, %convert_element_type3A_99, %cond3A_100 : i32
      scf.if %cond3A_101 {
        %dma_wait3A_102 = arith.constant 0 : i32
        %dma_wait3A_103 = arith.constant 0 : i32
        %dma_wait3A_104 = tpu.memref_slice %arg4[%dma_wait3A_102, %dma_wait3A_103] : memref<160000x640xf32, #tpu.memory_space<hbm>> -> memref<40x640xf32, #tpu.memory_space<hbm>>
        %dma_wait3A_105 = arith.constant 0 : i32
        %dma_wait3A_106 = arith.constant 0 : i32
        %dma_wait3A_107 = tpu.memref_slice %arg4[%dma_wait3A_105, %dma_wait3A_106] : memref<160000x640xf32, #tpu.memory_space<hbm>> -> memref<40x640xf32, #tpu.memory_space<hbm>>
        tpu.wait_dma2 semaphore(%arg14 : memref<!tpu.dma_semaphore, #tpu.memory_space<semaphore_mem>>) src(%arg8 : memref<40x640xf32, #tpu.memory_space<vmem>>) dst(%dma_wait3A_107 : memref<40x640xf32, #tpu.memory_space<hbm>>)
        %mul3A_108 = arith.constant 3 : i32
        %mul3A_109 = arith.muli %mul3A_108, %scan3A_43 : i32
        %add3A_110 = arith.constant 5 : i32
        %add3A_111 = arith.addi %mul3A_109, %add3A_110 : i32
        %mul3A_112 = arith.constant 40 : i32
        %mul3A_113 = arith.muli %add3A_111, %mul3A_112 : i32
        %multiple_of3A_114 = tpu.assume_multiple %mul3A_113, 8 : i32
        %dma_start3A_115 = tpu.memref_slice %arg5[%multiple_of3A_114] : memref<5000xi32, #tpu.memory_space<vmem>> -> memref<40xi32, #tpu.memory_space<vmem>>
        %dma_start3A_116 = arith.constant 0 : i32
        %dma_start3A_117 = arith.constant 0 : i32
        %dma_start3A_118 = tpu.memref_slice %arg2[%dma_start3A_116, %dma_start3A_117] : memref<10000x640xf32, #tpu.memory_space<hbm>> -> memref<10000x640xf32, #tpu.memory_space<hbm>>
        tpu.enqueue_indirect_dma source(%dma_start3A_118 : memref<10000x640xf32, #tpu.memory_space<hbm>>) target(%arg8 : memref<40x640xf32, #tpu.memory_space<vmem>>) offsets(%dma_start3A_115 : memref<40xi32, #tpu.memory_space<vmem>>) semaphore(%arg11 : memref<!tpu.dma_semaphore, #tpu.memory_space<semaphore_mem>>)
      } else {
      }
    }
    %scan3A_25 = arith.constant 42 : i32
    %dma_wait3A = arith.constant 0 : i32
    %dma_wait3A_26 = arith.constant 0 : i32
    %dma_wait3A_27 = tpu.memref_slice %arg4[%dma_wait3A, %dma_wait3A_26] : memref<160000x640xf32, #tpu.memory_space<hbm>> -> memref<40x640xf32, #tpu.memory_space<hbm>>
    %dma_wait3A_28 = arith.constant 0 : i32
    %dma_wait3A_29 = arith.constant 0 : i32
    %dma_wait3A_30 = tpu.memref_slice %arg4[%dma_wait3A_28, %dma_wait3A_29] : memref<160000x640xf32, #tpu.memory_space<hbm>> -> memref<40x640xf32, #tpu.memory_space<hbm>>
    tpu.wait_dma2 semaphore(%arg12 : memref<!tpu.dma_semaphore, #tpu.memory_space<semaphore_mem>>) src(%arg6 : memref<40x640xf32, #tpu.memory_space<vmem>>) dst(%dma_wait3A_30 : memref<40x640xf32, #tpu.memory_space<hbm>>)
    %dma_wait3A_31 = arith.constant 0 : i32
    %dma_wait3A_32 = arith.constant 0 : i32
    %dma_wait3A_33 = tpu.memref_slice %arg4[%dma_wait3A_31, %dma_wait3A_32] : memref<160000x640xf32, #tpu.memory_space<hbm>> -> memref<40x640xf32, #tpu.memory_space<hbm>>
    %dma_wait3A_34 = arith.constant 0 : i32
    %dma_wait3A_35 = arith.constant 0 : i32
    %dma_wait3A_36 = tpu.memref_slice %arg4[%dma_wait3A_34, %dma_wait3A_35] : memref<160000x640xf32, #tpu.memory_space<hbm>> -> memref<40x640xf32, #tpu.memory_space<hbm>>
    tpu.wait_dma2 semaphore(%arg13 : memref<!tpu.dma_semaphore, #tpu.memory_space<semaphore_mem>>) src(%arg7 : memref<40x640xf32, #tpu.memory_space<vmem>>) dst(%dma_wait3A_36 : memref<40x640xf32, #tpu.memory_space<hbm>>)
    %dma_wait3A_37 = arith.constant 0 : i32
    %dma_wait3A_38 = arith.constant 0 : i32
    %dma_wait3A_39 = tpu.memref_slice %arg4[%dma_wait3A_37, %dma_wait3A_38] : memref<160000x640xf32, #tpu.memory_space<hbm>> -> memref<40x640xf32, #tpu.memory_space<hbm>>
    %dma_wait3A_40 = arith.constant 0 : i32
    %dma_wait3A_41 = arith.constant 0 : i32
    %dma_wait3A_42 = tpu.memref_slice %arg4[%dma_wait3A_40, %dma_wait3A_41] : memref<160000x640xf32, #tpu.memory_space<hbm>> -> memref<40x640xf32, #tpu.memory_space<hbm>>
    tpu.wait_dma2 semaphore(%arg14 : memref<!tpu.dma_semaphore, #tpu.memory_space<semaphore_mem>>) src(%arg8 : memref<40x640xf32, #tpu.memory_space<vmem>>) dst(%dma_wait3A_42 : memref<40x640xf32, #tpu.memory_space<hbm>>)
    return
  }
}

#map = affine_map<(d0, d1) -> (0, 0)>
#map1 = affine_map<(d0, d1) -> (0)>
#map2 = affine_map<(d0, d1) -> (0, 0, 0, 0)>
module attributes {stable_mosaic.version = 14 : i64} {
  func.func @_scatter_body(%arg0: i32, %arg1: i32, %arg2: memref<160000x640xf32, #tpu.memory_space<hbm>>, %arg3: memref<160000xi32, #tpu.memory_space<hbm>>, %arg4: memref<640x128xf32, #tpu.memory_space<hbm>>, %arg5: memref<5x2x10000x128xf32, #tpu.memory_space<hbm>>, %arg6: memref<128xi32, #tpu.memory_space<vmem>>, %arg7: memref<128xi32, #tpu.memory_space<vmem>>, %arg8: memref<8xi32, #tpu.memory_space<vmem>>, %arg9: memref<128x128xf32, #tpu.memory_space<vmem>>, %arg10: memref<128x128xf32, #tpu.memory_space<vmem>>, %arg11: memref<8x128xf32, #tpu.memory_space<vmem>>, %arg12: memref<10000x128xf32, #tpu.memory_space<vmem_shared>>, %arg13: memref<!tpu.dma_semaphore, #tpu.memory_space<semaphore_mem>>, %arg14: memref<!tpu.dma_semaphore, #tpu.memory_space<semaphore_mem>>) attributes {dimension_semantics = [#tpu.dimension_semantics<core_parallel>, #tpu.dimension_semantics<subcore_parallel>], iteration_bounds = array<i64: 2, 16>, scalar_prefetch = 0 : i64, scratch_operands = 9 : i64, tpu.core_type = #tpu.core_type<sc_vector_subcore>, window_params = [{transform_indices = #map}, {transform_indices = #map1}, {transform_indices = #map}, {transform_indices = #map2}]} {
    %mul3A = arith.constant 80000 : i32
    %mul3A_0 = arith.muli %arg0, %mul3A : i32
    %mul3A_1 = arith.constant 5000 : i32
    %mul3A_2 = arith.muli %arg1, %mul3A_1 : i32
    %add3A = arith.addi %mul3A_0, %mul3A_2 : i32
    %scan3A = arith.constant 0 : i32
    %scan3A_3 = arith.constant 0 : i32
    %scan3A_4 = arith.constant 5 : i32
    %scan3A_5 = arith.addi %scan3A_3, %scan3A_4 : i32
    %scan3A_6 = arith.constant 1 : i32
    scf.for %scan3A_8 = %scan3A_3 to %scan3A_5 step %scan3A_6  : i32 {
      %mul3A_9 = arith.constant 128 : i32
      %mul3A_10 = arith.muli %scan3A_8, %mul3A_9 : i32
      %multiple_of3A = tpu.assume_multiple %mul3A_10, 128 : i32
      %lt3A = arith.constant 15 : i32
      %lt3A_11 = arith.cmpi slt, %arg1, %lt3A : i32
      %convert_element_type3A = arith.extui %lt3A_11 : i1 to i32
      %cond3A = arith.constant 0 : i32
      %cond3A_12 = arith.cmpi ne, %convert_element_type3A, %cond3A : i32
      scf.if %cond3A_12 {
        %mul3A_44 = arith.constant 624 : i32
        %mul3A_45 = arith.muli %arg1, %mul3A_44 : i32
        "tpu.region"() ({
          %run_scoped3A = tpu.sem_alloc : memref<!tpu.dma_semaphore, #tpu.memory_space<semaphore_mem>>
          %dma_start3A_46 = arith.constant 0 : i32
          %dma_start3A_47 = tpu.memref_slice %arg12[%mul3A_45, %dma_start3A_46] : memref<10000x128xf32, #tpu.memory_space<vmem_shared>> -> memref<624x128xf32, #tpu.memory_space<vmem_shared>>
          %dma_start3A_48 = arith.constant 0 : i32
          %dma_start3A_49 = arith.constant 0 : i32
          %dma_start3A_50 = tpu.memref_slice %arg4[%dma_start3A_48, %dma_start3A_49] : memref<640x128xf32, #tpu.memory_space<hbm>> -> memref<624x128xf32, #tpu.memory_space<hbm>>
          tpu.enqueue_dma source(%dma_start3A_50 : memref<624x128xf32, #tpu.memory_space<hbm>>) target(%dma_start3A_47 : memref<624x128xf32, #tpu.memory_space<vmem_shared>>) target_semaphore(%run_scoped3A : memref<!tpu.dma_semaphore, #tpu.memory_space<semaphore_mem>>)
          %dma_wait3A = arith.constant 0 : i32
          %dma_wait3A_51 = tpu.memref_slice %arg12[%mul3A_45, %dma_wait3A] : memref<10000x128xf32, #tpu.memory_space<vmem_shared>> -> memref<624x128xf32, #tpu.memory_space<vmem_shared>>
          %dma_wait3A_52 = arith.constant 0 : i32
          %dma_wait3A_53 = arith.constant 0 : i32
          %dma_wait3A_54 = tpu.memref_slice %arg4[%dma_wait3A_52, %dma_wait3A_53] : memref<640x128xf32, #tpu.memory_space<hbm>> -> memref<624x128xf32, #tpu.memory_space<hbm>>
          tpu.wait_dma2 semaphore(%run_scoped3A : memref<!tpu.dma_semaphore, #tpu.memory_space<semaphore_mem>>) src(%dma_wait3A_54 : memref<624x128xf32, #tpu.memory_space<hbm>>) dst(%dma_wait3A_51 : memref<624x128xf32, #tpu.memory_space<vmem_shared>>)
          tpu.yield
        }) : () -> ()
      } else {
      }
      %eq3A = arith.constant 15 : i32
      %eq3A_13 = arith.cmpi eq, %arg1, %eq3A : i32
      %convert_element_type3A_14 = arith.extui %eq3A_13 : i1 to i32
      %cond3A_15 = arith.constant 0 : i32
      %cond3A_16 = arith.cmpi ne, %convert_element_type3A_14, %cond3A_15 : i32
      scf.if %cond3A_16 {
        "tpu.region"() ({
          %run_scoped3A = tpu.sem_alloc : memref<!tpu.dma_semaphore, #tpu.memory_space<semaphore_mem>>
          %dma_start3A_44 = arith.constant 9360 : i32
          %dma_start3A_45 = arith.constant 0 : i32
          %dma_start3A_46 = tpu.memref_slice %arg12[%dma_start3A_44, %dma_start3A_45] : memref<10000x128xf32, #tpu.memory_space<vmem_shared>> -> memref<640x128xf32, #tpu.memory_space<vmem_shared>>
          %dma_start3A_47 = arith.constant 0 : i32
          %dma_start3A_48 = arith.constant 0 : i32
          %dma_start3A_49 = tpu.memref_slice %arg4[%dma_start3A_47, %dma_start3A_48] : memref<640x128xf32, #tpu.memory_space<hbm>> -> memref<640x128xf32, #tpu.memory_space<hbm>>
          tpu.enqueue_dma source(%dma_start3A_49 : memref<640x128xf32, #tpu.memory_space<hbm>>) target(%dma_start3A_46 : memref<640x128xf32, #tpu.memory_space<vmem_shared>>) target_semaphore(%run_scoped3A : memref<!tpu.dma_semaphore, #tpu.memory_space<semaphore_mem>>)
          %dma_wait3A = arith.constant 9360 : i32
          %dma_wait3A_50 = arith.constant 0 : i32
          %dma_wait3A_51 = tpu.memref_slice %arg12[%dma_wait3A, %dma_wait3A_50] : memref<10000x128xf32, #tpu.memory_space<vmem_shared>> -> memref<640x128xf32, #tpu.memory_space<vmem_shared>>
          %dma_wait3A_52 = arith.constant 0 : i32
          %dma_wait3A_53 = arith.constant 0 : i32
          %dma_wait3A_54 = tpu.memref_slice %arg4[%dma_wait3A_52, %dma_wait3A_53] : memref<640x128xf32, #tpu.memory_space<hbm>> -> memref<640x128xf32, #tpu.memory_space<hbm>>
          tpu.wait_dma2 semaphore(%run_scoped3A : memref<!tpu.dma_semaphore, #tpu.memory_space<semaphore_mem>>) src(%dma_wait3A_54 : memref<640x128xf32, #tpu.memory_space<hbm>>) dst(%dma_wait3A_51 : memref<640x128xf32, #tpu.memory_space<vmem_shared>>)
          tpu.yield
        }) : () -> ()
      } else {
      }
      %barrier3A = arith.constant 0 : index
      tpu.barrier barrier_id(%barrier3A)
      %add3A_17 = arith.constant 0 : i32
      %add3A_18 = arith.addi %add3A, %add3A_17 : i32
      %multiple_of3A_19 = tpu.assume_multiple %add3A_18, 8 : i32
      %dma_start3A = tpu.memref_slice %arg3[%multiple_of3A_19] : memref<160000xi32, #tpu.memory_space<hbm>> -> memref<128xi32, #tpu.memory_space<hbm>>
      %dma_start3A_20 = tpu.memref_slice %arg3[%multiple_of3A_19] : memref<160000xi32, #tpu.memory_space<hbm>> -> memref<128xi32, #tpu.memory_space<hbm>>
      tpu.enqueue_dma source(%dma_start3A_20 : memref<128xi32, #tpu.memory_space<hbm>>) target(%arg6 : memref<128xi32, #tpu.memory_space<vmem>>) target_semaphore(%arg13 : memref<!tpu.dma_semaphore, #tpu.memory_space<semaphore_mem>>)
      %dma_start3A_21 = tpu.memref_slice %arg2[%multiple_of3A_19, %multiple_of3A] : memref<160000x640xf32, #tpu.memory_space<hbm>> -> memref<128x128xf32, #tpu.memory_space<hbm>>
      %dma_start3A_22 = tpu.memref_slice %arg2[%multiple_of3A_19, %multiple_of3A] : memref<160000x640xf32, #tpu.memory_space<hbm>> -> memref<128x128xf32, #tpu.memory_space<hbm>>
      tpu.enqueue_dma source(%dma_start3A_22 : memref<128x128xf32, #tpu.memory_space<hbm>>) target(%arg9 : memref<128x128xf32, #tpu.memory_space<vmem>>) target_semaphore(%arg13 : memref<!tpu.dma_semaphore, #tpu.memory_space<semaphore_mem>>)
      %scan3A_23 = arith.constant 0 : i32
      %scan3A_24 = arith.constant 0 : i32
      %scan3A_25 = arith.constant 20 : i32
      %scan3A_26 = arith.addi %scan3A_24, %scan3A_25 : i32
      %scan3A_27 = arith.constant 1 : i32
      scf.for %scan3A_44 = %scan3A_24 to %scan3A_26 step %scan3A_27  : i32 {
        %mul3A_45 = arith.constant 2 : i32
        %mul3A_46 = arith.muli %mul3A_45, %scan3A_44 : i32
        %add3A_47 = arith.constant 1 : i32
        %add3A_48 = arith.addi %mul3A_46, %add3A_47 : i32
        %lt3A_49 = arith.constant 39 : i32
        %lt3A_50 = arith.cmpi slt, %add3A_48, %lt3A_49 : i32
        %convert_element_type3A_51 = arith.extui %lt3A_50 : i1 to i32
        %cond3A_52 = arith.constant 0 : i32
        %cond3A_53 = arith.cmpi ne, %convert_element_type3A_51, %cond3A_52 : i32
        scf.if %cond3A_53 {
          %mul3A_79 = arith.constant 2 : i32
          %mul3A_80 = arith.muli %mul3A_79, %scan3A_44 : i32
          %add3A_81 = arith.constant 1 : i32
          %add3A_82 = arith.addi %mul3A_80, %add3A_81 : i32
          %mul3A_83 = arith.constant 128 : i32
          %mul3A_84 = arith.muli %add3A_82, %mul3A_83 : i32
          %add3A_85 = arith.addi %add3A, %mul3A_84 : i32
          %multiple_of3A_86 = tpu.assume_multiple %add3A_85, 8 : i32
          %dma_start3A_87 = tpu.memref_slice %arg3[%multiple_of3A_86] : memref<160000xi32, #tpu.memory_space<hbm>> -> memref<128xi32, #tpu.memory_space<hbm>>
          %dma_start3A_88 = tpu.memref_slice %arg3[%multiple_of3A_86] : memref<160000xi32, #tpu.memory_space<hbm>> -> memref<128xi32, #tpu.memory_space<hbm>>
          tpu.enqueue_dma source(%dma_start3A_88 : memref<128xi32, #tpu.memory_space<hbm>>) target(%arg7 : memref<128xi32, #tpu.memory_space<vmem>>) target_semaphore(%arg14 : memref<!tpu.dma_semaphore, #tpu.memory_space<semaphore_mem>>)
          %dma_start3A_89 = tpu.memref_slice %arg2[%multiple_of3A_86, %multiple_of3A] : memref<160000x640xf32, #tpu.memory_space<hbm>> -> memref<128x128xf32, #tpu.memory_space<hbm>>
          %dma_start3A_90 = tpu.memref_slice %arg2[%multiple_of3A_86, %multiple_of3A] : memref<160000x640xf32, #tpu.memory_space<hbm>> -> memref<128x128xf32, #tpu.memory_space<hbm>>
          tpu.enqueue_dma source(%dma_start3A_90 : memref<128x128xf32, #tpu.memory_space<hbm>>) target(%arg10 : memref<128x128xf32, #tpu.memory_space<vmem>>) target_semaphore(%arg14 : memref<!tpu.dma_semaphore, #tpu.memory_space<semaphore_mem>>)
        } else {
        }
        %dma_wait3A = arith.constant 0 : i32
        %dma_wait3A_54 = tpu.memref_slice %arg3[%dma_wait3A] : memref<160000xi32, #tpu.memory_space<hbm>> -> memref<128xi32, #tpu.memory_space<hbm>>
        %dma_wait3A_55 = arith.constant 0 : i32
        %dma_wait3A_56 = tpu.memref_slice %arg3[%dma_wait3A_55] : memref<160000xi32, #tpu.memory_space<hbm>> -> memref<128xi32, #tpu.memory_space<hbm>>
        tpu.wait_dma2 semaphore(%arg13 : memref<!tpu.dma_semaphore, #tpu.memory_space<semaphore_mem>>) src(%dma_wait3A_56 : memref<128xi32, #tpu.memory_space<hbm>>) dst(%arg6 : memref<128xi32, #tpu.memory_space<vmem>>)
        %dma_wait3A_57 = arith.constant 0 : i32
        %dma_wait3A_58 = tpu.memref_slice %arg2[%dma_wait3A_57, %multiple_of3A] : memref<160000x640xf32, #tpu.memory_space<hbm>> -> memref<128x128xf32, #tpu.memory_space<hbm>>
        %dma_wait3A_59 = arith.constant 0 : i32
        %dma_wait3A_60 = tpu.memref_slice %arg2[%dma_wait3A_59, %multiple_of3A] : memref<160000x640xf32, #tpu.memory_space<hbm>> -> memref<128x128xf32, #tpu.memory_space<hbm>>
        tpu.wait_dma2 semaphore(%arg13 : memref<!tpu.dma_semaphore, #tpu.memory_space<semaphore_mem>>) src(%dma_wait3A_60 : memref<128x128xf32, #tpu.memory_space<hbm>>) dst(%arg9 : memref<128x128xf32, #tpu.memory_space<vmem>>)
        "tpu.region"() ({
          %run_scoped3A = tpu.sem_alloc : memref<!tpu.dma_semaphore, #tpu.memory_space<semaphore_mem>>
          %dma_start3A_79 = arith.constant 0 : i32
          %dma_start3A_80 = arith.constant 0 : i32
          %dma_start3A_81 = tpu.memref_slice %arg12[%dma_start3A_79, %dma_start3A_80] : memref<10000x128xf32, #tpu.memory_space<vmem_shared>> -> memref<10000x128xf32, #tpu.memory_space<vmem_shared>>
          tpu.enqueue_indirect_dma source(%arg9 : memref<128x128xf32, #tpu.memory_space<vmem>>) target(%dma_start3A_81 : memref<10000x128xf32, #tpu.memory_space<vmem_shared>>) offsets(%arg6 : memref<128xi32, #tpu.memory_space<vmem>>) semaphore(%run_scoped3A : memref<!tpu.dma_semaphore, #tpu.memory_space<semaphore_mem>>) {add = true}
          %dma_wait3A_82 = arith.constant 0 : i32
          %dma_wait3A_83 = arith.constant 0 : i32
          %dma_wait3A_84 = tpu.memref_slice %arg12[%dma_wait3A_82, %dma_wait3A_83] : memref<10000x128xf32, #tpu.memory_space<vmem_shared>> -> memref<10000x128xf32, #tpu.memory_space<vmem_shared>>
          tpu.wait_indirect_dma semaphore(%run_scoped3A : memref<!tpu.dma_semaphore, #tpu.memory_space<semaphore_mem>>) src(%arg9 : memref<128x128xf32, #tpu.memory_space<vmem>>) dst(%dma_wait3A_84 : memref<10000x128xf32, #tpu.memory_space<vmem_shared>>)
          tpu.yield
        }) : () -> ()
        %mul3A_61 = arith.constant 2 : i32
        %mul3A_62 = arith.muli %mul3A_61, %scan3A_44 : i32
        %add3A_63 = arith.constant 2 : i32
        %add3A_64 = arith.addi %mul3A_62, %add3A_63 : i32
        %lt3A_65 = arith.constant 39 : i32
        %lt3A_66 = arith.cmpi slt, %add3A_64, %lt3A_65 : i32
        %convert_element_type3A_67 = arith.extui %lt3A_66 : i1 to i32
        %cond3A_68 = arith.constant 0 : i32
        %cond3A_69 = arith.cmpi ne, %convert_element_type3A_67, %cond3A_68 : i32
        scf.if %cond3A_69 {
          %mul3A_79 = arith.constant 2 : i32
          %mul3A_80 = arith.muli %mul3A_79, %scan3A_44 : i32
          %add3A_81 = arith.constant 2 : i32
          %add3A_82 = arith.addi %mul3A_80, %add3A_81 : i32
          %mul3A_83 = arith.constant 128 : i32
          %mul3A_84 = arith.muli %add3A_82, %mul3A_83 : i32
          %add3A_85 = arith.addi %add3A, %mul3A_84 : i32
          %multiple_of3A_86 = tpu.assume_multiple %add3A_85, 8 : i32
          %dma_start3A_87 = tpu.memref_slice %arg3[%multiple_of3A_86] : memref<160000xi32, #tpu.memory_space<hbm>> -> memref<128xi32, #tpu.memory_space<hbm>>
          %dma_start3A_88 = tpu.memref_slice %arg3[%multiple_of3A_86] : memref<160000xi32, #tpu.memory_space<hbm>> -> memref<128xi32, #tpu.memory_space<hbm>>
          tpu.enqueue_dma source(%dma_start3A_88 : memref<128xi32, #tpu.memory_space<hbm>>) target(%arg6 : memref<128xi32, #tpu.memory_space<vmem>>) target_semaphore(%arg13 : memref<!tpu.dma_semaphore, #tpu.memory_space<semaphore_mem>>)
          %dma_start3A_89 = tpu.memref_slice %arg2[%multiple_of3A_86, %multiple_of3A] : memref<160000x640xf32, #tpu.memory_space<hbm>> -> memref<128x128xf32, #tpu.memory_space<hbm>>
          %dma_start3A_90 = tpu.memref_slice %arg2[%multiple_of3A_86, %multiple_of3A] : memref<160000x640xf32, #tpu.memory_space<hbm>> -> memref<128x128xf32, #tpu.memory_space<hbm>>
          tpu.enqueue_dma source(%dma_start3A_90 : memref<128x128xf32, #tpu.memory_space<hbm>>) target(%arg9 : memref<128x128xf32, #tpu.memory_space<vmem>>) target_semaphore(%arg13 : memref<!tpu.dma_semaphore, #tpu.memory_space<semaphore_mem>>)
        } else {
        }
        %mul3A_70 = arith.constant 2 : i32
        %mul3A_71 = arith.muli %mul3A_70, %scan3A_44 : i32
        %add3A_72 = arith.constant 1 : i32
        %add3A_73 = arith.addi %mul3A_71, %add3A_72 : i32
        %lt3A_74 = arith.constant 39 : i32
        %lt3A_75 = arith.cmpi slt, %add3A_73, %lt3A_74 : i32
        %convert_element_type3A_76 = arith.extui %lt3A_75 : i1 to i32
        %cond3A_77 = arith.constant 0 : i32
        %cond3A_78 = arith.cmpi ne, %convert_element_type3A_76, %cond3A_77 : i32
        scf.if %cond3A_78 {
          %dma_wait3A_79 = arith.constant 0 : i32
          %dma_wait3A_80 = tpu.memref_slice %arg3[%dma_wait3A_79] : memref<160000xi32, #tpu.memory_space<hbm>> -> memref<128xi32, #tpu.memory_space<hbm>>
          %dma_wait3A_81 = arith.constant 0 : i32
          %dma_wait3A_82 = tpu.memref_slice %arg3[%dma_wait3A_81] : memref<160000xi32, #tpu.memory_space<hbm>> -> memref<128xi32, #tpu.memory_space<hbm>>
          tpu.wait_dma2 semaphore(%arg14 : memref<!tpu.dma_semaphore, #tpu.memory_space<semaphore_mem>>) src(%dma_wait3A_82 : memref<128xi32, #tpu.memory_space<hbm>>) dst(%arg7 : memref<128xi32, #tpu.memory_space<vmem>>)
          %dma_wait3A_83 = arith.constant 0 : i32
          %dma_wait3A_84 = tpu.memref_slice %arg2[%dma_wait3A_83, %multiple_of3A] : memref<160000x640xf32, #tpu.memory_space<hbm>> -> memref<128x128xf32, #tpu.memory_space<hbm>>
          %dma_wait3A_85 = arith.constant 0 : i32
          %dma_wait3A_86 = tpu.memref_slice %arg2[%dma_wait3A_85, %multiple_of3A] : memref<160000x640xf32, #tpu.memory_space<hbm>> -> memref<128x128xf32, #tpu.memory_space<hbm>>
          tpu.wait_dma2 semaphore(%arg14 : memref<!tpu.dma_semaphore, #tpu.memory_space<semaphore_mem>>) src(%dma_wait3A_86 : memref<128x128xf32, #tpu.memory_space<hbm>>) dst(%arg10 : memref<128x128xf32, #tpu.memory_space<vmem>>)
          "tpu.region"() ({
            %run_scoped3A = tpu.sem_alloc : memref<!tpu.dma_semaphore, #tpu.memory_space<semaphore_mem>>
            %dma_start3A_87 = arith.constant 0 : i32
            %dma_start3A_88 = arith.constant 0 : i32
            %dma_start3A_89 = tpu.memref_slice %arg12[%dma_start3A_87, %dma_start3A_88] : memref<10000x128xf32, #tpu.memory_space<vmem_shared>> -> memref<10000x128xf32, #tpu.memory_space<vmem_shared>>
            tpu.enqueue_indirect_dma source(%arg10 : memref<128x128xf32, #tpu.memory_space<vmem>>) target(%dma_start3A_89 : memref<10000x128xf32, #tpu.memory_space<vmem_shared>>) offsets(%arg7 : memref<128xi32, #tpu.memory_space<vmem>>) semaphore(%run_scoped3A : memref<!tpu.dma_semaphore, #tpu.memory_space<semaphore_mem>>) {add = true}
            %dma_wait3A_90 = arith.constant 0 : i32
            %dma_wait3A_91 = arith.constant 0 : i32
            %dma_wait3A_92 = tpu.memref_slice %arg12[%dma_wait3A_90, %dma_wait3A_91] : memref<10000x128xf32, #tpu.memory_space<vmem_shared>> -> memref<10000x128xf32, #tpu.memory_space<vmem_shared>>
            tpu.wait_indirect_dma semaphore(%run_scoped3A : memref<!tpu.dma_semaphore, #tpu.memory_space<semaphore_mem>>) src(%arg10 : memref<128x128xf32, #tpu.memory_space<vmem>>) dst(%dma_wait3A_92 : memref<10000x128xf32, #tpu.memory_space<vmem_shared>>)
            tpu.yield
          }) : () -> ()
        } else {
        }
      }
      %scan3A_28 = arith.constant 20 : i32
      %add3A_29 = arith.constant 4992 : i32
      %add3A_30 = arith.addi %add3A, %add3A_29 : i32
      %multiple_of3A_31 = tpu.assume_multiple %add3A_30, 8 : i32
      "tpu.region"() ({
        %run_scoped3A = tpu.sem_alloc : memref<!tpu.dma_semaphore, #tpu.memory_space<semaphore_mem>>
        %dma_start3A_44 = tpu.memref_slice %arg3[%multiple_of3A_31] : memref<160000xi32, #tpu.memory_space<hbm>> -> memref<8xi32, #tpu.memory_space<hbm>>
        %dma_start3A_45 = tpu.memref_slice %arg3[%multiple_of3A_31] : memref<160000xi32, #tpu.memory_space<hbm>> -> memref<8xi32, #tpu.memory_space<hbm>>
        tpu.enqueue_dma source(%dma_start3A_45 : memref<8xi32, #tpu.memory_space<hbm>>) target(%arg8 : memref<8xi32, #tpu.memory_space<vmem>>) target_semaphore(%run_scoped3A : memref<!tpu.dma_semaphore, #tpu.memory_space<semaphore_mem>>)
        %dma_wait3A = tpu.memref_slice %arg3[%multiple_of3A_31] : memref<160000xi32, #tpu.memory_space<hbm>> -> memref<8xi32, #tpu.memory_space<hbm>>
        %dma_wait3A_46 = tpu.memref_slice %arg3[%multiple_of3A_31] : memref<160000xi32, #tpu.memory_space<hbm>> -> memref<8xi32, #tpu.memory_space<hbm>>
        tpu.wait_dma2 semaphore(%run_scoped3A : memref<!tpu.dma_semaphore, #tpu.memory_space<semaphore_mem>>) src(%dma_wait3A_46 : memref<8xi32, #tpu.memory_space<hbm>>) dst(%arg8 : memref<8xi32, #tpu.memory_space<vmem>>)
        tpu.yield
      }) : () -> ()
      "tpu.region"() ({
        %run_scoped3A = tpu.sem_alloc : memref<!tpu.dma_semaphore, #tpu.memory_space<semaphore_mem>>
        %dma_start3A_44 = tpu.memref_slice %arg2[%multiple_of3A_31, %multiple_of3A] : memref<160000x640xf32, #tpu.memory_space<hbm>> -> memref<8x128xf32, #tpu.memory_space<hbm>>
        %dma_start3A_45 = tpu.memref_slice %arg2[%multiple_of3A_31, %multiple_of3A] : memref<160000x640xf32, #tpu.memory_space<hbm>> -> memref<8x128xf32, #tpu.memory_space<hbm>>
        tpu.enqueue_dma source(%dma_start3A_45 : memref<8x128xf32, #tpu.memory_space<hbm>>) target(%arg11 : memref<8x128xf32, #tpu.memory_space<vmem>>) target_semaphore(%run_scoped3A : memref<!tpu.dma_semaphore, #tpu.memory_space<semaphore_mem>>)
        %dma_wait3A = tpu.memref_slice %arg2[%multiple_of3A_31, %multiple_of3A] : memref<160000x640xf32, #tpu.memory_space<hbm>> -> memref<8x128xf32, #tpu.memory_space<hbm>>
        %dma_wait3A_46 = tpu.memref_slice %arg2[%multiple_of3A_31, %multiple_of3A] : memref<160000x640xf32, #tpu.memory_space<hbm>> -> memref<8x128xf32, #tpu.memory_space<hbm>>
        tpu.wait_dma2 semaphore(%run_scoped3A : memref<!tpu.dma_semaphore, #tpu.memory_space<semaphore_mem>>) src(%dma_wait3A_46 : memref<8x128xf32, #tpu.memory_space<hbm>>) dst(%arg11 : memref<8x128xf32, #tpu.memory_space<vmem>>)
        tpu.yield
      }) : () -> ()
      "tpu.region"() ({
        %run_scoped3A = tpu.sem_alloc : memref<!tpu.dma_semaphore, #tpu.memory_space<semaphore_mem>>
        %dma_start3A_44 = arith.constant 0 : i32
        %dma_start3A_45 = arith.constant 0 : i32
        %dma_start3A_46 = tpu.memref_slice %arg12[%dma_start3A_44, %dma_start3A_45] : memref<10000x128xf32, #tpu.memory_space<vmem_shared>> -> memref<10000x128xf32, #tpu.memory_space<vmem_shared>>
        tpu.enqueue_indirect_dma source(%arg11 : memref<8x128xf32, #tpu.memory_space<vmem>>) target(%dma_start3A_46 : memref<10000x128xf32, #tpu.memory_space<vmem_shared>>) offsets(%arg8 : memref<8xi32, #tpu.memory_space<vmem>>) semaphore(%run_scoped3A : memref<!tpu.dma_semaphore, #tpu.memory_space<semaphore_mem>>) {add = true}
        %dma_wait3A = arith.constant 0 : i32
        %dma_wait3A_47 = arith.constant 0 : i32
        %dma_wait3A_48 = tpu.memref_slice %arg12[%dma_wait3A, %dma_wait3A_47] : memref<10000x128xf32, #tpu.memory_space<vmem_shared>> -> memref<10000x128xf32, #tpu.memory_space<vmem_shared>>
        tpu.wait_indirect_dma semaphore(%run_scoped3A : memref<!tpu.dma_semaphore, #tpu.memory_space<semaphore_mem>>) src(%arg11 : memref<8x128xf32, #tpu.memory_space<vmem>>) dst(%dma_wait3A_48 : memref<10000x128xf32, #tpu.memory_space<vmem_shared>>)
        tpu.yield
      }) : () -> ()
      %barrier3A_32 = arith.constant 0 : index
      tpu.barrier barrier_id(%barrier3A_32)
      %lt3A_33 = arith.constant 15 : i32
      %lt3A_34 = arith.cmpi slt, %arg1, %lt3A_33 : i32
      %convert_element_type3A_35 = arith.extui %lt3A_34 : i1 to i32
      %cond3A_36 = arith.constant 0 : i32
      %cond3A_37 = arith.cmpi ne, %convert_element_type3A_35, %cond3A_36 : i32
      scf.if %cond3A_37 {
        %mul3A_44 = arith.constant 624 : i32
        %mul3A_45 = arith.muli %arg1, %mul3A_44 : i32
        %mul3A_46 = arith.constant 624 : i32
        %mul3A_47 = arith.muli %arg1, %mul3A_46 : i32
        "tpu.region"() ({
          %run_scoped3A = tpu.sem_alloc : memref<!tpu.dma_semaphore, #tpu.memory_space<semaphore_mem>>
          %dma_start3A_48 = arith.constant 0 : i32
          %dma_start3A_49 = arith.constant 0 : i32
          %dma_start3A_50 = tpu.memref_slice %arg5[%scan3A_8, %arg0, %dma_start3A_48, %dma_start3A_49] : memref<5x2x10000x128xf32, #tpu.memory_space<hbm>> -> memref<1x1x10000x128xf32, #tpu.memory_space<hbm>>
          %dma_start3A_51 = tpu.memref_squeeze %dma_start3A_50 : memref<1x1x10000x128xf32, #tpu.memory_space<hbm>> -> memref<10000x128xf32, #tpu.memory_space<hbm>>
          %dma_start3A_52 = arith.constant 0 : i32
          %dma_start3A_53 = tpu.memref_slice %dma_start3A_51[%mul3A_47, %dma_start3A_52] : memref<10000x128xf32, #tpu.memory_space<hbm>> -> memref<624x128xf32, #tpu.memory_space<hbm>>
          %dma_start3A_54 = arith.constant 0 : i32
          %dma_start3A_55 = tpu.memref_slice %arg12[%mul3A_45, %dma_start3A_54] : memref<10000x128xf32, #tpu.memory_space<vmem_shared>> -> memref<624x128xf32, #tpu.memory_space<vmem_shared>>
          tpu.enqueue_dma source(%dma_start3A_55 : memref<624x128xf32, #tpu.memory_space<vmem_shared>>) target(%dma_start3A_53 : memref<624x128xf32, #tpu.memory_space<hbm>>) target_semaphore(%run_scoped3A : memref<!tpu.dma_semaphore, #tpu.memory_space<semaphore_mem>>)
          %dma_wait3A = arith.constant 0 : i32
          %dma_wait3A_56 = arith.constant 0 : i32
          %dma_wait3A_57 = tpu.memref_slice %arg5[%scan3A_8, %arg0, %dma_wait3A, %dma_wait3A_56] : memref<5x2x10000x128xf32, #tpu.memory_space<hbm>> -> memref<1x1x10000x128xf32, #tpu.memory_space<hbm>>
          %dma_wait3A_58 = tpu.memref_squeeze %dma_wait3A_57 : memref<1x1x10000x128xf32, #tpu.memory_space<hbm>> -> memref<10000x128xf32, #tpu.memory_space<hbm>>
          %dma_wait3A_59 = arith.constant 0 : i32
          %dma_wait3A_60 = tpu.memref_slice %dma_wait3A_58[%mul3A_47, %dma_wait3A_59] : memref<10000x128xf32, #tpu.memory_space<hbm>> -> memref<624x128xf32, #tpu.memory_space<hbm>>
          %dma_wait3A_61 = arith.constant 0 : i32
          %dma_wait3A_62 = tpu.memref_slice %arg12[%mul3A_45, %dma_wait3A_61] : memref<10000x128xf32, #tpu.memory_space<vmem_shared>> -> memref<624x128xf32, #tpu.memory_space<vmem_shared>>
          tpu.wait_dma2 semaphore(%run_scoped3A : memref<!tpu.dma_semaphore, #tpu.memory_space<semaphore_mem>>) src(%dma_wait3A_62 : memref<624x128xf32, #tpu.memory_space<vmem_shared>>) dst(%dma_wait3A_60 : memref<624x128xf32, #tpu.memory_space<hbm>>)
          tpu.yield
        }) : () -> ()
      } else {
      }
      %eq3A_38 = arith.constant 15 : i32
      %eq3A_39 = arith.cmpi eq, %arg1, %eq3A_38 : i32
      %convert_element_type3A_40 = arith.extui %eq3A_39 : i1 to i32
      %cond3A_41 = arith.constant 0 : i32
      %cond3A_42 = arith.cmpi ne, %convert_element_type3A_40, %cond3A_41 : i32
      scf.if %cond3A_42 {
        "tpu.region"() ({
          %run_scoped3A = tpu.sem_alloc : memref<!tpu.dma_semaphore, #tpu.memory_space<semaphore_mem>>
          %dma_start3A_44 = arith.constant 0 : i32
          %dma_start3A_45 = arith.constant 0 : i32
          %dma_start3A_46 = tpu.memref_slice %arg5[%scan3A_8, %arg0, %dma_start3A_44, %dma_start3A_45] : memref<5x2x10000x128xf32, #tpu.memory_space<hbm>> -> memref<1x1x10000x128xf32, #tpu.memory_space<hbm>>
          %dma_start3A_47 = tpu.memref_squeeze %dma_start3A_46 : memref<1x1x10000x128xf32, #tpu.memory_space<hbm>> -> memref<10000x128xf32, #tpu.memory_space<hbm>>
          %dma_start3A_48 = arith.constant 9360 : i32
          %dma_start3A_49 = arith.constant 0 : i32
          %dma_start3A_50 = tpu.memref_slice %dma_start3A_47[%dma_start3A_48, %dma_start3A_49] : memref<10000x128xf32, #tpu.memory_space<hbm>> -> memref<640x128xf32, #tpu.memory_space<hbm>>
          %dma_start3A_51 = arith.constant 9360 : i32
          %dma_start3A_52 = arith.constant 0 : i32
          %dma_start3A_53 = tpu.memref_slice %arg12[%dma_start3A_51, %dma_start3A_52] : memref<10000x128xf32, #tpu.memory_space<vmem_shared>> -> memref<640x128xf32, #tpu.memory_space<vmem_shared>>
          tpu.enqueue_dma source(%dma_start3A_53 : memref<640x128xf32, #tpu.memory_space<vmem_shared>>) target(%dma_start3A_50 : memref<640x128xf32, #tpu.memory_space<hbm>>) target_semaphore(%run_scoped3A : memref<!tpu.dma_semaphore, #tpu.memory_space<semaphore_mem>>)
          %dma_wait3A = arith.constant 0 : i32
          %dma_wait3A_54 = arith.constant 0 : i32
          %dma_wait3A_55 = tpu.memref_slice %arg5[%scan3A_8, %arg0, %dma_wait3A, %dma_wait3A_54] : memref<5x2x10000x128xf32, #tpu.memory_space<hbm>> -> memref<1x1x10000x128xf32, #tpu.memory_space<hbm>>
          %dma_wait3A_56 = tpu.memref_squeeze %dma_wait3A_55 : memref<1x1x10000x128xf32, #tpu.memory_space<hbm>> -> memref<10000x128xf32, #tpu.memory_space<hbm>>
          %dma_wait3A_57 = arith.constant 9360 : i32
          %dma_wait3A_58 = arith.constant 0 : i32
          %dma_wait3A_59 = tpu.memref_slice %dma_wait3A_56[%dma_wait3A_57, %dma_wait3A_58] : memref<10000x128xf32, #tpu.memory_space<hbm>> -> memref<640x128xf32, #tpu.memory_space<hbm>>
          %dma_wait3A_60 = arith.constant 9360 : i32
          %dma_wait3A_61 = arith.constant 0 : i32
          %dma_wait3A_62 = tpu.memref_slice %arg12[%dma_wait3A_60, %dma_wait3A_61] : memref<10000x128xf32, #tpu.memory_space<vmem_shared>> -> memref<640x128xf32, #tpu.memory_space<vmem_shared>>
          tpu.wait_dma2 semaphore(%run_scoped3A : memref<!tpu.dma_semaphore, #tpu.memory_space<semaphore_mem>>) src(%dma_wait3A_62 : memref<640x128xf32, #tpu.memory_space<vmem_shared>>) dst(%dma_wait3A_59 : memref<640x128xf32, #tpu.memory_space<hbm>>)
          tpu.yield
        }) : () -> ()
      } else {
      }
      %barrier3A_43 = arith.constant 0 : index
      tpu.barrier barrier_id(%barrier3A_43)
    }
    %scan3A_7 = arith.constant 5 : i32
    return
  }
}

module attributes {stable_mosaic.version = 14 : i64} {
  func.func @_mlp_body(%arg0: i32, %arg1: memref<1000x128xf32, #tpu.memory_space<vmem>>, %arg2: memref<1000x480xf32, #tpu.memory_space<vmem>>, %arg3: memref<128x128xf32, #tpu.memory_space<vmem>>, %arg4: memref<128xf32, #tpu.memory_space<vmem>>, %arg5: memref<128x640xf32, #tpu.memory_space<vmem>>, %arg6: memref<640xf32, #tpu.memory_space<vmem>>, %arg7: memref<1000x640xf32, #tpu.memory_space<vmem>>) attributes {dimension_semantics = [#tpu.dimension_semantics<arbitrary>], iteration_bounds = array<i64: 10>, scalar_prefetch = 0 : i64, scratch_operands = 0 : i64, tpu.core_type = #tpu.core_type<tc>, window_params = [{transform_indices = @transform_0, window_bounds = array<i64: 1000, 128>}, {transform_indices = @transform_1, window_bounds = array<i64: 1000, 480>}, {pipeline_mode = #tpu.pipeline_mode<synchronous>, transform_indices = @transform_2, window_bounds = array<i64: 128, 128>}, {pipeline_mode = #tpu.pipeline_mode<synchronous>, transform_indices = @transform_3, window_bounds = array<i64: 128>}, {pipeline_mode = #tpu.pipeline_mode<synchronous>, transform_indices = @transform_4, window_bounds = array<i64: 128, 640>}, {pipeline_mode = #tpu.pipeline_mode<synchronous>, transform_indices = @transform_5, window_bounds = array<i64: 640>}, {transform_indices = @transform_6, window_bounds = array<i64: 1000, 640>}]} {
    %get3A = arith.constant 0 : index
    %get3A_0 = arith.constant 0 : index
    %get3A_1 = vector.load %arg1[%get3A, %get3A_0] : memref<1000x128xf32, #tpu.memory_space<vmem>>, vector<1000x128xf32>
    %get3A_2 = arith.constant 0 : index
    %get3A_3 = arith.constant 0 : index
    %get3A_4 = vector.load %arg3[%get3A_2, %get3A_3] : memref<128x128xf32, #tpu.memory_space<vmem>>, vector<128x128xf32>
    %dot_general3A = arith.constant dense<0.000000e+00> : vector<1000x128xf32>
    %dot_general3A_5 = tpu.matmul %get3A_1, %get3A_4, %dot_general3A {dimension_numbers = #tpu.dot_dimension_numbers<[1], [0], [0], [1], [0, 0, 1, 1], [], []>, precision = #tpu.contract_precision<fp32>, transpose_lhs_hint = false} : vector<1000x128xf32>, vector<128x128xf32>, vector<1000x128xf32> -> vector<1000x128xf32>
    %get3A_6 = arith.constant 0 : index
    %get3A_7 = vector.load %arg4[%get3A_6] : memref<128xf32, #tpu.memory_space<vmem>>, vector<128xf32>
    %broadcast_in_dim3A = vector.shape_cast %get3A_7 : vector<128xf32> to vector<1x128xf32>
    %add3A = vector.broadcast %broadcast_in_dim3A : vector<1x128xf32> to vector<1000x128xf32>
    %add3A_8 = arith.addf %dot_general3A_5, %add3A : vector<1000x128xf32>
    %logistic3A = arith.negf %add3A_8 : vector<1000x128xf32>
    %logistic3A_9 = math.exp %logistic3A : vector<1000x128xf32>
    %logistic3A_10 = arith.constant 1.000000e+00 : f32
    %logistic3A_11 = vector.broadcast %logistic3A_10 : f32 to vector<1000x128xf32>
    %logistic3A_12 = arith.addf %logistic3A_11, %logistic3A_9 : vector<1000x128xf32>
    %logistic3A_13 = arith.divf %logistic3A_11, %logistic3A_12 : vector<1000x128xf32>
    %mul3A = arith.mulf %add3A_8, %logistic3A_13 : vector<1000x128xf32>
    %convert_element_type3A = arith.truncf %mul3A : vector<1000x128xf32> to vector<1000x128xbf16>
    %get3A_14 = arith.constant 0 : index
    %get3A_15 = arith.constant 0 : index
    %get3A_16 = vector.load %arg5[%get3A_14, %get3A_15] : memref<128x640xf32, #tpu.memory_space<vmem>>, vector<128x640xf32>
    %convert_element_type3A_17 = arith.truncf %get3A_16 : vector<128x640xf32> to vector<128x640xbf16>
    %dot_general3A_18 = arith.constant dense<0.000000e+00> : vector<1000x640xf32>
    %dot_general3A_19 = tpu.matmul %convert_element_type3A, %convert_element_type3A_17, %dot_general3A_18 {dimension_numbers = #tpu.dot_dimension_numbers<[1], [0], [0], [1], [0, 0, 1, 1], [], []>, transpose_lhs_hint = false} : vector<1000x128xbf16>, vector<128x640xbf16>, vector<1000x640xf32> -> vector<1000x640xf32>
    %get3A_20 = arith.constant 0 : index
    %get3A_21 = vector.load %arg6[%get3A_20] : memref<640xf32, #tpu.memory_space<vmem>>, vector<640xf32>
    %broadcast_in_dim3A_22 = vector.shape_cast %get3A_21 : vector<640xf32> to vector<1x640xf32>
    %add3A_23 = vector.broadcast %broadcast_in_dim3A_22 : vector<1x640xf32> to vector<1000x640xf32>
    %add3A_24 = arith.addf %dot_general3A_19, %add3A_23 : vector<1000x640xf32>
    %broadcast_in_dim3A_25 = arith.constant 0.000000e+00 : f32
    %broadcast_in_dim3A_26 = vector.broadcast %broadcast_in_dim3A_25 : f32 to vector<1000x160xf32>
    %get3A_27 = arith.constant 0 : index
    %get3A_28 = arith.constant 0 : index
    %get3A_29 = vector.load %arg2[%get3A_27, %get3A_28] : memref<1000x480xf32, #tpu.memory_space<vmem>>, vector<1000x480xf32>
    %concatenate3A = tpu.concatenate %get3A_29, %broadcast_in_dim3A_26 in 1 : vector<1000x480xf32>, vector<1000x160xf32> -> vector<1000x640xf32>
    %bitcast_convert_type3A = tpu.bitcast %add3A_24 : vector<1000x640xf32> -> vector<1000x640xi32>
    %add3A_30 = arith.constant 32767 : i32
    %add3A_31 = vector.broadcast %add3A_30 : i32 to vector<1000x640xi32>
    %add3A_32 = arith.addi %bitcast_convert_type3A, %add3A_31 : vector<1000x640xi32>
    %shift_right_logical3A = arith.constant 16 : i32
    %shift_right_logical3A_33 = vector.broadcast %shift_right_logical3A : i32 to vector<1000x640xi32>
    %shift_right_logical3A_34 = arith.shrui %bitcast_convert_type3A, %shift_right_logical3A_33 : vector<1000x640xi32>
    %and3A = arith.constant 1 : i32
    %and3A_35 = vector.broadcast %and3A : i32 to vector<1000x640xi32>
    %and3A_36 = arith.andi %shift_right_logical3A_34, %and3A_35 : vector<1000x640xi32>
    %add3A_37 = arith.addi %add3A_32, %and3A_36 : vector<1000x640xi32>
    %shift_right_logical3A_38 = arith.constant 16 : i32
    %shift_right_logical3A_39 = vector.broadcast %shift_right_logical3A_38 : i32 to vector<1000x640xi32>
    %shift_right_logical3A_40 = arith.shrui %add3A_37, %shift_right_logical3A_39 : vector<1000x640xi32>
    %bitcast_convert_type3A_41 = tpu.bitcast %concatenate3A : vector<1000x640xf32> -> vector<1000x640xi32>
    %add3A_42 = arith.constant 32767 : i32
    %add3A_43 = vector.broadcast %add3A_42 : i32 to vector<1000x640xi32>
    %add3A_44 = arith.addi %bitcast_convert_type3A_41, %add3A_43 : vector<1000x640xi32>
    %shift_right_logical3A_45 = arith.constant 16 : i32
    %shift_right_logical3A_46 = vector.broadcast %shift_right_logical3A_45 : i32 to vector<1000x640xi32>
    %shift_right_logical3A_47 = arith.shrui %bitcast_convert_type3A_41, %shift_right_logical3A_46 : vector<1000x640xi32>
    %and3A_48 = arith.constant 1 : i32
    %and3A_49 = vector.broadcast %and3A_48 : i32 to vector<1000x640xi32>
    %and3A_50 = arith.andi %shift_right_logical3A_47, %and3A_49 : vector<1000x640xi32>
    %add3A_51 = arith.addi %add3A_44, %and3A_50 : vector<1000x640xi32>
    %shift_right_logical3A_52 = arith.constant 16 : i32
    %shift_right_logical3A_53 = vector.broadcast %shift_right_logical3A_52 : i32 to vector<1000x640xi32>
    %shift_right_logical3A_54 = arith.shrui %add3A_51, %shift_right_logical3A_53 : vector<1000x640xi32>
    %shift_left3A = arith.constant 16 : i32
    %shift_left3A_55 = vector.broadcast %shift_left3A : i32 to vector<1000x640xi32>
    %shift_left3A_56 = arith.shli %shift_right_logical3A_54, %shift_left3A_55 : vector<1000x640xi32>
    %or3A = arith.ori %shift_right_logical3A_40, %shift_left3A_56 : vector<1000x640xi32>
    %bitcast_convert_type3A_57 = tpu.bitcast %or3A : vector<1000x640xi32> -> vector<1000x640xf32>
    %swap3A = arith.constant 0 : index
    %swap3A_58 = arith.constant 0 : index
    %swap3A_59 = vector.load %arg7[%swap3A, %swap3A_58] : memref<1000x640xf32, #tpu.memory_space<vmem>>, vector<1000x640xf32>
    tpu.vector_store %arg7[%swap3A, %swap3A_58], %bitcast_convert_type3A_57 {strides = array<i32>} : memref<1000x640xf32, #tpu.memory_space<vmem>>, vector<1000x640xf32>,
    return
  }
  func.func @transform_0(%arg0: i32) -> (i32, i32) {
    %c0_i32 = arith.constant 0 : i32
    %c0_i32_0 = arith.constant 0 : i32
    return %arg0, %c0_i32 : i32, i32
  }
  func.func @transform_1(%arg0: i32) -> (i32, i32) {
    %c0_i32 = arith.constant 0 : i32
    %c0_i32_0 = arith.constant 0 : i32
    return %arg0, %c0_i32 : i32, i32
  }
  func.func @transform_2(%arg0: i32) -> (i32, i32) {
    %c0_i32 = arith.constant 0 : i32
    %c0_i32_0 = arith.constant 0 : i32
    %c0_i32_1 = arith.constant 0 : i32
    return %c0_i32, %c0_i32_0 : i32, i32
  }
  func.func @transform_3(%arg0: i32) -> i32 {
    %c0_i32 = arith.constant 0 : i32
    %c0_i32_0 = arith.constant 0 : i32
    return %c0_i32 : i32
  }
  func.func @transform_4(%arg0: i32) -> (i32, i32) {
    %c0_i32 = arith.constant 0 : i32
    %c0_i32_0 = arith.constant 0 : i32
    %c0_i32_1 = arith.constant 0 : i32
    return %c0_i32, %c0_i32_0 : i32, i32
  }
  func.func @transform_5(%arg0: i32) -> i32 {
    %c0_i32 = arith.constant 0 : i32
    %c0_i32_0 = arith.constant 0 : i32
    return %c0_i32 : i32
  }
  func.func @transform_6(%arg0: i32) -> (i32, i32) {
    %c0_i32 = arith.constant 0 : i32
    %c0_i32_0 = arith.constant 0 : i32
    return %arg0, %c0_i32 : i32, i32
  }
}

module attributes {stable_mosaic.version = 14 : i64} {
  func.func @_edge_body(%arg0: i32, %arg1: memref<1280x640xf32, #tpu.memory_space<vmem>>, %arg2: memref<1280x20xf32, #tpu.memory_space<vmem>>, %arg3: memref<1280x1xf32, #tpu.memory_space<vmem>>, %arg4: memref<1280x480xf32, #tpu.memory_space<vmem>>, %arg5: memref<20x640xbf16, #tpu.memory_space<vmem>>, %arg6: memref<640xf32, #tpu.memory_space<vmem>>, %arg7: memref<192x704xbf16, #tpu.memory_space<vmem>>, %arg8: memref<1280x640xf32, #tpu.memory_space<vmem>>) attributes {dimension_semantics = [#tpu.dimension_semantics<arbitrary>], iteration_bounds = array<i64: 125>, scalar_prefetch = 0 : i64, scratch_operands = 0 : i64, tpu.core_type = #tpu.core_type<tc>, window_params = [{transform_indices = @transform_0, window_bounds = array<i64: 1280, 640>}, {transform_indices = @transform_1, window_bounds = array<i64: 1280, 20>}, {transform_indices = @transform_2, window_bounds = array<i64: 1280, 1>}, {transform_indices = @transform_3, window_bounds = array<i64: 1280, 480>}, {pipeline_mode = #tpu.pipeline_mode<synchronous>, transform_indices = @transform_4, window_bounds = array<i64: 20, 640>}, {pipeline_mode = #tpu.pipeline_mode<synchronous>, transform_indices = @transform_5, window_bounds = array<i64: 640>}, {pipeline_mode = #tpu.pipeline_mode<synchronous>, transform_indices = @transform_6, window_bounds = array<i64: 192, 704>}, {transform_indices = @transform_7, window_bounds = array<i64: 1280, 640>}]} {
    %get3A = arith.constant 0 : index
    %get3A_0 = arith.constant 0 : index
    %get3A_1 = vector.load %arg2[%get3A, %get3A_0] : memref<1280x20xf32, #tpu.memory_space<vmem>>, vector<1280x20xf32>
    %convert_element_type3A = arith.truncf %get3A_1 : vector<1280x20xf32> to vector<1280x20xbf16>
    %get3A_2 = arith.constant 0 : index
    %get3A_3 = arith.constant 0 : index
    %get3A_4 = vector.load %arg5[%get3A_2, %get3A_3] : memref<20x640xbf16, #tpu.memory_space<vmem>>, vector<20x640xbf16>
    %dot_general3A = arith.constant dense<0.000000e+00> : vector<1280x640xf32>
    %dot_general3A_5 = tpu.matmul %convert_element_type3A, %get3A_4, %dot_general3A {dimension_numbers = #tpu.dot_dimension_numbers<[1], [0], [0], [1], [0, 0, 1, 1], [], []>, transpose_lhs_hint = false} : vector<1280x20xbf16>, vector<20x640xbf16>, vector<1280x640xf32> -> vector<1280x640xf32>
    %get3A_6 = arith.constant 0 : index
    %get3A_7 = vector.load %arg6[%get3A_6] : memref<640xf32, #tpu.memory_space<vmem>>, vector<640xf32>
    %broadcast_in_dim3A = vector.shape_cast %get3A_7 : vector<640xf32> to vector<1x640xf32>
    %add3A = vector.broadcast %broadcast_in_dim3A : vector<1x640xf32> to vector<1280x640xf32>
    %add3A_8 = arith.addf %dot_general3A_5, %add3A : vector<1280x640xf32>
    %get3A_9 = arith.constant 0 : index
    %get3A_10 = arith.constant 0 : index
    %get3A_11 = vector.load %arg3[%get3A_9, %get3A_10] : memref<1280x1xf32, #tpu.memory_space<vmem>>, vector<1280x1xf32>
    %mul3A = vector.broadcast %get3A_11 : vector<1280x1xf32> to vector<1280x640xf32>
    %mul3A_12 = arith.mulf %add3A_8, %mul3A : vector<1280x640xf32>
    %get3A_13 = arith.constant 0 : index
    %get3A_14 = arith.constant 0 : index
    %get3A_15 = vector.load %arg1[%get3A_13, %get3A_14] : memref<1280x640xf32, #tpu.memory_space<vmem>>, vector<1280x640xf32>
    %bitcast_convert_type3A = tpu.bitcast %get3A_15 : vector<1280x640xf32> -> vector<1280x640xi32>
    %shift_left3A = arith.constant 16 : i32
    %shift_left3A_16 = vector.broadcast %shift_left3A : i32 to vector<1280x640xi32>
    %shift_left3A_17 = arith.shli %bitcast_convert_type3A, %shift_left3A_16 : vector<1280x640xi32>
    %bitcast_convert_type3A_18 = tpu.bitcast %shift_left3A_17 : vector<1280x640xi32> -> vector<1280x640xf32>
    %and3A = arith.constant -65536 : i32
    %and3A_19 = vector.broadcast %and3A : i32 to vector<1280x640xi32>
    %and3A_20 = arith.andi %bitcast_convert_type3A, %and3A_19 : vector<1280x640xi32>
    %bitcast_convert_type3A_21 = tpu.bitcast %and3A_20 : vector<1280x640xi32> -> vector<1280x640xf32>
    %mul3A_22 = arith.mulf %bitcast_convert_type3A_18, %mul3A_12 : vector<1280x640xf32>
    %slice3A = vector.extract_strided_slice %mul3A_22 {offsets = [0, 448], sizes = [1280, 128], strides = [1, 1]} : vector<1280x640xf32> to vector<1280x128xf32>
    %slice3A_23 = vector.extract_strided_slice %mul3A_22 {offsets = [0, 128], sizes = [1280, 96], strides = [1, 1]} : vector<1280x640xf32> to vector<1280x96xf32>
    %slice3A_24 = vector.extract_strided_slice %mul3A_22 {offsets = [0, 352], sizes = [1280, 96], strides = [1, 1]} : vector<1280x640xf32> to vector<1280x96xf32>
    %concatenate3A = tpu.concatenate %slice3A_23, %slice3A_24 in 1 : vector<1280x96xf32>, vector<1280x96xf32> -> vector<1280x192xf32>
    %convert_element_type3A_25 = arith.truncf %concatenate3A : vector<1280x192xf32> to vector<1280x192xbf16>
    %get3A_26 = arith.constant 0 : index
    %get3A_27 = arith.constant 0 : index
    %get3A_28 = vector.load %arg7[%get3A_26, %get3A_27] : memref<192x704xbf16, #tpu.memory_space<vmem>>, vector<192x704xbf16>
    %dot_general3A_29 = arith.constant dense<0.000000e+00> : vector<1280x704xf32>
    %dot_general3A_30 = tpu.matmul %convert_element_type3A_25, %get3A_28, %dot_general3A_29 {dimension_numbers = #tpu.dot_dimension_numbers<[1], [0], [0], [1], [0, 0, 1, 1], [], []>, transpose_lhs_hint = false} : vector<1280x192xbf16>, vector<192x704xbf16>, vector<1280x704xf32> -> vector<1280x704xf32>
    %slice3A_31 = vector.extract_strided_slice %mul3A_22 {offsets = [0, 0], sizes = [1280, 128], strides = [1, 1]} : vector<1280x640xf32> to vector<1280x128xf32>
    %slice3A_32 = vector.extract_strided_slice %dot_general3A_30 {offsets = [0, 0], sizes = [1280, 352], strides = [1, 1]} : vector<1280x704xf32> to vector<1280x352xf32>
    %concatenate3A_33 = tpu.concatenate %slice3A_31, %slice3A_32 in 1 : vector<1280x128xf32>, vector<1280x352xf32> -> vector<1280x480xf32>
    %slice3A_34 = vector.extract_strided_slice %mul3A_22 {offsets = [0, 224], sizes = [1280, 128], strides = [1, 1]} : vector<1280x640xf32> to vector<1280x128xf32>
    %slice3A_35 = vector.extract_strided_slice %dot_general3A_30 {offsets = [0, 352], sizes = [1280, 352], strides = [1, 1]} : vector<1280x704xf32> to vector<1280x352xf32>
    %concatenate3A_36 = tpu.concatenate %slice3A_34, %slice3A_35 in 1 : vector<1280x128xf32>, vector<1280x352xf32> -> vector<1280x480xf32>
    %slice3A_37 = vector.extract_strided_slice %bitcast_convert_type3A_21 {offsets = [0, 0], sizes = [1280, 480], strides = [1, 1]} : vector<1280x640xf32> to vector<1280x480xf32>
    %mul3A_38 = arith.mulf %slice3A_37, %concatenate3A_33 : vector<1280x480xf32>
    %get3A_39 = arith.constant 0 : index
    %get3A_40 = arith.constant 0 : index
    %get3A_41 = vector.load %arg4[%get3A_39, %get3A_40] : memref<1280x480xf32, #tpu.memory_space<vmem>>, vector<1280x480xf32>
    %mul3A_42 = arith.mulf %get3A_41, %concatenate3A_36 : vector<1280x480xf32>
    %add3A_43 = arith.addf %mul3A_38, %mul3A_42 : vector<1280x480xf32>
    %broadcast_in_dim3A_44 = arith.constant 0.000000e+00 : f32
    %broadcast_in_dim3A_45 = vector.broadcast %broadcast_in_dim3A_44 : f32 to vector<1280x32xf32>
    %concatenate3A_46 = tpu.concatenate %slice3A, %add3A_43, %broadcast_in_dim3A_45 in 1 : vector<1280x128xf32>, vector<1280x480xf32>, vector<1280x32xf32> -> vector<1280x640xf32>
    %swap3A = arith.constant 0 : index
    %swap3A_47 = arith.constant 0 : index
    %swap3A_48 = vector.load %arg8[%swap3A, %swap3A_47] : memref<1280x640xf32, #tpu.memory_space<vmem>>, vector<1280x640xf32>
    tpu.vector_store %arg8[%swap3A, %swap3A_47], %concatenate3A_46 {strides = array<i32>} : memref<1280x640xf32, #tpu.memory_space<vmem>>, vector<1280x640xf32>,
    return
  }
  func.func @transform_0(%arg0: i32) -> (i32, i32) {
    %c0_i32 = arith.constant 0 : i32
    %c0_i32_0 = arith.constant 0 : i32
    return %arg0, %c0_i32 : i32, i32
  }
  func.func @transform_1(%arg0: i32) -> (i32, i32) {
    %add3A = arith.constant 0 : i32
    %add3A_0 = arith.addi %arg0, %add3A : i32
    %c0_i32 = arith.constant 0 : i32
    %c0_i32_1 = arith.constant 0 : i32
    return %add3A_0, %c0_i32 : i32, i32
  }
  func.func @transform_2(%arg0: i32) -> (i32, i32) {
    %add3A = arith.constant 0 : i32
    %add3A_0 = arith.addi %arg0, %add3A : i32
    %c0_i32 = arith.constant 0 : i32
    %c0_i32_1 = arith.constant 0 : i32
    return %add3A_0, %c0_i32 : i32, i32
  }
  func.func @transform_3(%arg0: i32) -> (i32, i32) {
    %add3A = arith.constant 0 : i32
    %add3A_0 = arith.addi %arg0, %add3A : i32
    %c0_i32 = arith.constant 0 : i32
    %c0_i32_1 = arith.constant 0 : i32
    return %add3A_0, %c0_i32 : i32, i32
  }
  func.func @transform_4(%arg0: i32) -> (i32, i32) {
    %c0_i32 = arith.constant 0 : i32
    %c0_i32_0 = arith.constant 0 : i32
    %c0_i32_1 = arith.constant 0 : i32
    return %c0_i32, %c0_i32_0 : i32, i32
  }
  func.func @transform_5(%arg0: i32) -> i32 {
    %c0_i32 = arith.constant 0 : i32
    %c0_i32_0 = arith.constant 0 : i32
    return %c0_i32 : i32
  }
  func.func @transform_6(%arg0: i32) -> (i32, i32) {
    %c0_i32 = arith.constant 0 : i32
    %c0_i32_0 = arith.constant 0 : i32
    %c0_i32_1 = arith.constant 0 : i32
    return %c0_i32, %c0_i32_0 : i32, i32
  }
  func.func @transform_7(%arg0: i32) -> (i32, i32) {
    %c0_i32 = arith.constant 0 : i32
    %c0_i32_0 = arith.constant 0 : i32
    return %arg0, %c0_i32 : i32, i32
  }
}

module attributes {stable_mosaic.version = 14 : i64} {
  func.func @_combine_body(%arg0: i32, %arg1: memref<1000x128xf32, #tpu.memory_space<vmem>>, %arg2: memref<1000x480xf32, #tpu.memory_space<vmem>>, %arg3: memref<5x2x1000x128xf32, #tpu.memory_space<vmem>>, %arg4: memref<1000x128xf32, #tpu.memory_space<vmem>>, %arg5: memref<1000x480xf32, #tpu.memory_space<vmem>>) attributes {dimension_semantics = [#tpu.dimension_semantics<arbitrary>], iteration_bounds = array<i64: 10>, scalar_prefetch = 0 : i64, scratch_operands = 0 : i64, tpu.core_type = #tpu.core_type<tc>, window_params = [{transform_indices = @transform_0, window_bounds = array<i64: 1000, 128>}, {transform_indices = @transform_1, window_bounds = array<i64: 1000, 480>}, {transform_indices = @transform_2, window_bounds = array<i64: 5, 2, 1000, 128>}, {transform_indices = @transform_3, window_bounds = array<i64: 1000, 128>}, {transform_indices = @transform_4, window_bounds = array<i64: 1000, 480>}]} {
    %get3A = arith.constant 0 : index
    %get3A_0 = arith.constant 0 : index
    %get3A_1 = arith.constant 0 : index
    %get3A_2 = arith.constant 0 : index
    %get3A_3 = vector.load %arg3[%get3A, %get3A_0, %get3A_1, %get3A_2] : memref<5x2x1000x128xf32, #tpu.memory_space<vmem>>, vector<5x2x1000x128xf32>
    %slice3A = vector.extract_strided_slice %get3A_3 {offsets = [0, 0, 0, 0], sizes = [5, 1, 1000, 128], strides = [1, 1, 1, 1]} : vector<5x2x1000x128xf32> to vector<5x1x1000x128xf32>
    %squeeze3A = vector.shape_cast %slice3A : vector<5x1x1000x128xf32> to vector<5x1000x128xf32>
    %slice3A_4 = vector.extract_strided_slice %get3A_3 {offsets = [0, 1, 0, 0], sizes = [5, 1, 1000, 128], strides = [1, 1, 1, 1]} : vector<5x2x1000x128xf32> to vector<5x1x1000x128xf32>
    %squeeze3A_5 = vector.shape_cast %slice3A_4 : vector<5x1x1000x128xf32> to vector<5x1000x128xf32>
    %add3A = arith.addf %squeeze3A, %squeeze3A_5 : vector<5x1000x128xf32>
    %get3A_6 = arith.constant 0 : index
    %get3A_7 = arith.constant 0 : index
    %get3A_8 = vector.load %arg1[%get3A_6, %get3A_7] : memref<1000x128xf32, #tpu.memory_space<vmem>>, vector<1000x128xf32>
    %slice3A_9 = vector.extract_strided_slice %add3A {offsets = [0, 0, 0], sizes = [1, 1000, 128], strides = [1, 1, 1]} : vector<5x1000x128xf32> to vector<1x1000x128xf32>
    %squeeze3A_10 = vector.shape_cast %slice3A_9 : vector<1x1000x128xf32> to vector<1000x128xf32>
    %add3A_11 = arith.addf %get3A_8, %squeeze3A_10 : vector<1000x128xf32>
    %swap3A = arith.constant 0 : index
    %swap3A_12 = arith.constant 0 : index
    %swap3A_13 = vector.load %arg4[%swap3A, %swap3A_12] : memref<1000x128xf32, #tpu.memory_space<vmem>>, vector<1000x128xf32>
    tpu.vector_store %arg4[%swap3A, %swap3A_12], %add3A_11 {strides = array<i32>} : memref<1000x128xf32, #tpu.memory_space<vmem>>, vector<1000x128xf32>,
    %slice3A_14 = vector.extract_strided_slice %add3A {offsets = [1, 0, 0], sizes = [1, 1000, 128], strides = [1, 1, 1]} : vector<5x1000x128xf32> to vector<1x1000x128xf32>
    %squeeze3A_15 = vector.shape_cast %slice3A_14 : vector<1x1000x128xf32> to vector<1000x128xf32>
    %slice3A_16 = vector.extract_strided_slice %add3A {offsets = [2, 0, 0], sizes = [1, 1000, 128], strides = [1, 1, 1]} : vector<5x1000x128xf32> to vector<1x1000x128xf32>
    %squeeze3A_17 = vector.shape_cast %slice3A_16 : vector<1x1000x128xf32> to vector<1000x128xf32>
    %slice3A_18 = vector.extract_strided_slice %add3A {offsets = [3, 0, 0], sizes = [1, 1000, 128], strides = [1, 1, 1]} : vector<5x1000x128xf32> to vector<1x1000x128xf32>
    %squeeze3A_19 = vector.shape_cast %slice3A_18 : vector<1x1000x128xf32> to vector<1000x128xf32>
    %slice3A_20 = vector.extract_strided_slice %add3A {offsets = [4, 0, 0], sizes = [1, 1000, 128], strides = [1, 1, 1]} : vector<5x1000x128xf32> to vector<1x1000x128xf32>
    %squeeze3A_21 = vector.shape_cast %slice3A_20 : vector<1x1000x128xf32> to vector<1000x128xf32>
    %concatenate3A = tpu.concatenate %squeeze3A_15, %squeeze3A_17, %squeeze3A_19, %squeeze3A_21 in 1 : vector<1000x128xf32>, vector<1000x128xf32>, vector<1000x128xf32>, vector<1000x128xf32> -> vector<1000x512xf32>
    %slice3A_22 = vector.extract_strided_slice %concatenate3A {offsets = [0, 0], sizes = [1000, 480], strides = [1, 1]} : vector<1000x512xf32> to vector<1000x480xf32>
    %get3A_23 = arith.constant 0 : index
    %get3A_24 = arith.constant 0 : index
    %get3A_25 = vector.load %arg2[%get3A_23, %get3A_24] : memref<1000x480xf32, #tpu.memory_space<vmem>>, vector<1000x480xf32>
    %add3A_26 = arith.addf %get3A_25, %slice3A_22 : vector<1000x480xf32>
    %swap3A_27 = arith.constant 0 : index
    %swap3A_28 = arith.constant 0 : index
    %swap3A_29 = vector.load %arg5[%swap3A_27, %swap3A_28] : memref<1000x480xf32, #tpu.memory_space<vmem>>, vector<1000x480xf32>
    tpu.vector_store %arg5[%swap3A_27, %swap3A_28], %add3A_26 {strides = array<i32>} : memref<1000x480xf32, #tpu.memory_space<vmem>>, vector<1000x480xf32>,
    return
  }
  func.func @transform_0(%arg0: i32) -> (i32, i32) {
    %c0_i32 = arith.constant 0 : i32
    %c0_i32_0 = arith.constant 0 : i32
    return %arg0, %c0_i32 : i32, i32
  }
  func.func @transform_1(%arg0: i32) -> (i32, i32) {
    %c0_i32 = arith.constant 0 : i32
    %c0_i32_0 = arith.constant 0 : i32
    return %arg0, %c0_i32 : i32, i32
  }
  func.func @transform_2(%arg0: i32) -> (i32, i32, i32, i32) {
    %c0_i32 = arith.constant 0 : i32
    %c0_i32_0 = arith.constant 0 : i32
    %c0_i32_1 = arith.constant 0 : i32
    %c0_i32_2 = arith.constant 0 : i32
    return %c0_i32, %c0_i32_0, %arg0, %c0_i32_1 : i32, i32, i32, i32
  }
  func.func @transform_3(%arg0: i32) -> (i32, i32) {
    %c0_i32 = arith.constant 0 : i32
    %c0_i32_0 = arith.constant 0 : i32
    return %arg0, %c0_i32 : i32, i32
  }
  func.func @transform_4(%arg0: i32) -> (i32, i32) {
    %c0_i32 = arith.constant 0 : i32
    %c0_i32_0 = arith.constant 0 : i32
    return %arg0, %c0_i32 : i32, i32
  }
}

</mosaic_0001>

<sc_bundles>
// kernel: kernel.10.cloned.1.call-start
scs
__scs_entry_jumppad:
0x0: {  	(pc) =	sbr.rel $0x88, $3  }
0x1: {  	(tag) =	ssettag $0x0;
	lr =	simm.s32 $0x1  }
0x2: {  	[smem:$0x3F95] =	sst lr;
	_ =	strace $0xD0000000  }
0x3: {  	_ = 	snop  }
0x4: {  	_ = 	snop  }
0x5: {  	_ = 	snop  }
0x6: {  	_ = 	snop  }
0x7: {  	_ = 	snop  }
__scs_overlays_trampoline_lowered:
0x8: {  	[smem:$0x3FA4] =	sst s0  }
0x9: {  	[smem:$0x3FA5] =	sst s1  }
0xa: {  	[smem:$0x3FA6] =	sst s2  }
0xb: {  	[smem:$0x3FA7] =	sst s3  }
0xc: {  	[smem:$0x3FA8] =	sst s4  }
0xd: {  	[smem:$0x3FA9] =	sst s5  }
0xe: {  	[smem:$0x3FAA] =	sst s6  }
0xf: {  	[smem:$0x3FAB] =	sst s7  }
0x10: {  	[smem:$0x3FAC] =	sst s8  }
0x11: {  	[smem:$0x3FAD] =	sst s9;
	s0 =	simm.s32 @!p0 $0x0  }
0x12: {  	s1 =	sld [smem:$0x3F93];
	s0 =	simm.s32 @p0 $0x1  }
0x13: {  	[smem:$0x3FAE] =	sst s0;
	s0 =	simm.s32 @!p1 $0x0  }
0x14: {  	s2 =	sld [smem:$0x3F92];
	s0 =	simm.s32 @p1 $0x1  }
0x15: {  	[smem:$0x3FAF] =	sst s0;
	s0 =	simm.s32 @!p2 $0x0  }
0x16: {  	s3 =	sld [smem:$0x3FDB];
	s0 =	simm.s32 @p2 $0x1  }
0x17: {  	s4 =	simm.s32 $0x1BF5;
	[smem:$0x3FB1] =	sst s0  }
0x18: {  	s0 =	sld [smem:$0x3F94];
	_ =	swait.ge [sflag:s4], $0x0  }
0x19: {  	s7 =	sld [smem:$0x3F95]  }
0x1a: {  	s8 =	sadd.s32 $0xFFFFE003, lr  }
0x1b: {  	s9 =	sadd.s32 $0xFFFFFEF7, lr;
	s5 =	simm.s32 $0xFFFFFFFF;
	p2 =	slt.u32 s8, $0xFFFFF086  }
0x1c: {  	p1 =	slt.u32 s9, $0xF7A;
	s5 =	simm.s32 @!p2 $0x0  }
0x1d: {  	s5 =	simm.s32 @p1 $0x1;
	p0 =	seq.s32 s7, s2  }
0x1e: {  	s7 =	smul.u32 @!p0 $0xF7A, s2;
	p2 =	seq.s32 @!p0 s5, $0x0  }
0x1f: {  	s9 =	smul.u32 $0xF7A, s1;
	s8 =	simm.s32 @!p0 $0x1BF5;
	p2 =	por !p2, p0  }
0x20: {  	[sflag:s8] =	ssyncset.s32 @!p0 $0xFFFFF086;
	s6 =	sadd.s32 @!p0 s3, s7;
	s7 =	simm.s32 @!p0 $0x108  }
0x21: {  	s3 =	sadd.s32 s3, s9;
	s6 =	sadd.s32 @!p0 $0x88, s6;
	s7 =	simm.s32 @p2 $0x1082  }
0x22: {  	[simem:s7], [sflag:s8] =	dma.local @!p0 [hbm:s6], $0xF7A  }
0x23: {  	s9 =	sor.u32 $0xD0000000, s2;
	s6 =	simm.s32 $0x108;
	_ =	swait.ge @!p0 [sflag:s8], $0x0  }
0x24: {  	s3 =	sadd.s32 $0x88, s3;
	s6 =	simm.s32 @!p1 $0x1082;
	[sflag:s4] =	ssyncset.s32 $0xFFFFF086  }
0x25: {  	[simem:s6], [sflag:s4] =	dma.local [hbm:s3], $0xF7A  }
0x26: {  	[smem:$0x3F95] =	sst s1;
	(tag) =	ssettag s2;
	_ =	strace s9  }
0x27: {  	s1 =	sld [smem:$0x3FA5]  }
0x28: {  	s2 =	sld [smem:$0x3FA6]  }
0x29: {  	s4 =	sld [smem:$0x3FA8]  }
0x2a: {  	p0 =	seq.s32 s5, $0x0;
	s5 =	sld [smem:$0x3FA9]  }
0x2b: {  	s6 =	sld [smem:$0x3FAA]  }
0x2c: {  	s7 =	sld [smem:$0x3FAB]  }
0x2d: {  	s3 =	simm.s32 $0x108;
	s8 =	sld [smem:$0x3FAC]  }
0x2e: {  	s3 =	simm.s32 @!p0 $0x1082;
	s9 =	sld [smem:$0x3FAD]  }
0x2f: {  	lr =	sadd.s32 s0, s3;
	s0 =	sld [smem:$0x3FA4]  }
0x30: {  	s3 =	sld [smem:$0x3FA7]  }
0x31: {  	[smem:$0x3FB0] =	sst s10  }
0x32: {  	s10 =	sld [smem:$0x3FAE];
	_ =	sdelay $0x3  }
0x33: {  	p0 =	seq.s32 s10, $0x1;
	s10 =	sld [smem:$0x3FB0];
	_ =	sdelay $0x3  }
0x34: {  	[smem:$0x3FB0] =	sst s10  }
0x35: {  	s10 =	sld [smem:$0x3FAF];
	_ =	sdelay $0x3  }
0x36: {  	p1 =	seq.s32 s10, $0x1;
	s10 =	sld [smem:$0x3FB0];
	_ =	sdelay $0x3  }
0x37: {  	[smem:$0x3FB0] =	sst s10  }
0x38: {  	s10 =	sld [smem:$0x3FB1]  }
0x39: {  	_ = 	snop;
	(pc) =	sbr.ind lr, $3  }
0x3a: {  	_ = 	snop  }
0x3b: {  	_ = 	snop  }
0x3c: {  	p2 =	seq.s32 s10, $0x1;
	s10 =	sld [smem:$0x3FB0]  }
0x3d: {  	_ =	shalt  }
0x3e: {  	_ =	shalt  }
0x3f: {  	_ =	shalt  }
0x40: {  	_ =	shalt  }
0x41: {  	_ =	shalt  }
0x42: {  	_ =	shalt  }
0x43: {  	_ =	shalt  }
0x44: {  	_ =	shalt  }
0x45: {  	_ =	shalt  }
0x46: {  	_ =	shalt  }
0x47: {  	_ =	shalt  }
0x48: {  	_ =	shalt  }
0x49: {  	_ =	shalt  }
0x4a: {  	_ =	shalt  }
0x4b: {  	_ =	shalt  }
0x4c: {  	_ =	shalt  }
0x4d: {  	_ =	shalt  }
0x4e: {  	_ =	shalt  }
0x4f: {  	_ =	shalt  }
0x50: {  	_ =	shalt  }
0x51: {  	_ =	shalt  }
0x52: {  	_ =	shalt  }
0x53: {  	_ =	shalt  }
0x54: {  	_ =	shalt  }
0x55: {  	_ =	shalt  }
0x56: {  	_ =	shalt  }
0x57: {  	_ =	shalt  }
0x58: {  	_ =	shalt  }
0x59: {  	_ =	shalt  }
0x5a: {  	_ =	shalt  }
0x5b: {  	_ =	shalt  }
0x5c: {  	_ =	shalt  }
0x5d: {  	_ =	shalt  }
0x5e: {  	_ =	shalt  }
0x5f: {  	_ =	shalt  }
0x60: {  	_ =	shalt  }
0x61: {  	_ =	shalt  }
0x62: {  	_ =	shalt  }
0x63: {  	_ =	shalt  }
0x64: {  	_ =	shalt  }
0x65: {  	_ =	shalt  }
0x66: {  	_ =	shalt  }
0x67: {  	_ =	shalt  }
0x68: {  	_ =	shalt  }
0x69: {  	_ =	shalt  }
0x6a: {  	_ =	shalt  }
0x6b: {  	_ =	shalt  }
0x6c: {  	_ =	shalt  }
0x6d: {  	_ =	shalt  }
0x6e: {  	_ =	shalt  }
0x6f: {  	_ =	shalt  }
0x70: {  	_ =	shalt  }
0x71: {  	_ =	shalt  }
0x72: {  	_ =	shalt  }
0x73: {  	_ =	shalt  }
0x74: {  	_ =	shalt  }
0x75: {  	_ =	shalt  }
0x76: {  	_ =	shalt  }
0x77: {  	_ =	shalt  }
0x78: {  	_ =	shalt  }
0x79: {  	_ =	shalt  }
0x7a: {  	_ =	shalt  }
0x7b: {  	_ =	shalt  }
0x7c: {  	_ =	shalt  }
0x7d: {  	_ =	shalt  }
0x7e: {  	_ =	shalt  }
0x7f: {  	_ =	shalt  }
0x80: {  	_ =	shalt  }
0x81: {  	_ =	shalt  }
0x82: {  	_ =	shalt  }
0x83: {  	_ =	shalt  }
0x84: {  	_ =	shalt  }
0x85: {  	_ =	shalt  }
0x86: {  	_ =	shalt  }
0x87: {  	_ =	shalt  }
.Lfunc_end0:
.L_simem_size_0:
called_computation.1_lowered:
.L_overlay_start_0:
0x88: {  	s2 =	sld [smem:$0x3FD9]  }
0x89: {  	s3 =	sld [smem:$0x3FFE];
	_ =	sdelay $0x1  }
0x8a: {  	s1 =	srdreg.scid  }
0x8b: {  	s0 =	sand.u32 $0x1, s1  }
0x8c: {  	s14 =	sshll.u32 s0, $0xA;
	s2 =	sadd.s32 s3, s2  }
0x8d: {  	s2 =	sadd.s32 s2, s14  }
0x8e: {  	[smem:$0x3FBC] =	sst s2  }
0x8f: {  	_ = 	snop  }
0x90: {  	s2 =	sld [smem:$0x3FD0];
	_ =	sdelay $0x2  }
0x91: {  	s15 =	simm.s32 $0xA;
	s4 =	simm.s32 $0x10  }
0x92: {  	[smem:s4], [sflag:s15] =	dma.local [hbm:s2], $0x1  }
0x93: {  	_ =	swait.eq [sflag:s15], $0x1  }
0x94: {  	[sflag:s15] =	ssyncset.done $0x0  }
0x95: {  	s16 =	sld [smem:$0x10];
	[sflag:s15] =	ssyncadd.s32 $0xFFFFFFFF  }
0x96: {  	s17 =	sld [smem:$0x11];
	(tm) =	ssettm $0x1  }
0x97: {  	s18 =	sld [smem:$0x3FFB];
	_ =	sdelay $0x3  }
0x98: {  	_ =	strace s18  }
0x99: {  	s4 =	sld [smem:$0x3FFC];
	_ =	sdelay $0x3  }
0x9a: {  	_ =	strace s4  }
0x9b: {  	s4 =	sld [smem:$0x3FFD];
	_ =	sdelay $0x3  }
0x9c: {  	_ =	strace s4  }
0x9d: {  	_ =	strace $0x8FFFFFFF  }
0x9e: {  	s19 =	sld [smem:$0x3FDB];
	_ =	sdelay $0x1  }
0x9f: {  	s5 =	simm.s32 $_scs_section_size  }
0xa0: {  	s6 =	simm.s32 $_size__tile_overlayer_lowered;
	s7 =	simm.s32 $_tile_overlayer_lowered  }
0xa1: {  	s22 =	simm.s32 $0x1BFF;
	s21 =	sshll.u32 s7, $0x1;
	s4 =	sadd.s32 s5, s19  }
0xa2: {  	s8 =	simm.s32 $0x0;
	s20 =	sshll.u32 s6, $0x1;
	s6 =	sadd.s32 s21, s4  }
0xa3: {  	[timem:s8], [sflag:s22] =	dma.local [hbm:s6], s20  }
0xa4: {  	_ =	swait.ge [sflag:s22], s20  }
0xa5: {  	s5 =	ssub.s32 $0x0, s20;
	[sflag:s22] =	ssyncset.done $0x0  }
0xa6: {  	[sflag:s22] =	ssyncadd.s32 s5;
	_ =	sdelay $0x1  }
0xa7: {  	s23 =	simm.s32 $0x1B8B  }
0xa8: {  	_ =	swait.ge [sflag:s23], $0x1  }
0xa9: {  	[sflag:s23] =	ssyncset.done $0x0  }
0xaa: {  	s25 =	simm.s32 $0x1B8E;
	s24 =	sld [smem:$0x3FFE];
	[sflag:s23] =	ssyncadd.s32 $0xFFFFFFFF  }
0xab: {  	s26 =	simm.s32 $execute0_lowered;
	[smem:$0x3FD2] =	sst s25  }
0xac: {  	s6 =	sshll.u32 s26, $0x1;
	_ =	strace $0x80000049;
	[dreg:$0x1] =	wrdreg $0xFFFFFFFF  }
0xad: {  	s28 =	simm.s32 $_size_execute0_lowered;
	s4 =	sadd.s32 s4, s6;
	[dreg:$0x0] =	wrdreg $0x0  }
0xae: {  	s6 =	sshll.u32 s28, $0x1;
	[dreg:$0x2] =	wrdreg s4  }
0xaf: {  	[dreg:$0x3] =	wrdreg s6  }
0xb0: {  	[dreg:$0x4] =	wrdreg $0xC0  }
0xb1: {  	_ =	task [dreg:s8], $0x5FFFF  }
0xb2: {  	[dreg:$0x1] =	wrdreg $0xFFFFFFFF  }
0xb3: {  	[dreg:$0x0] =	wrdreg $0x60  }
0xb4: {  	[dreg:$0x2] =	wrdreg s24  }
0xb5: {  	[dreg:$0x3] =	wrdreg s16  }
0xb6: {  	[dreg:$0x4] =	wrdreg s17  }
0xb7: {  	[dreg:$0x5] =	wrdreg $0x85800  }
0xb8: {  	[dreg:$0x6] =	wrdreg $0x9  }
0xb9: {  	_ =	task.clear_ibuf [dreg:s8], $0x7FFFF;
	_ =	strace $0x90000049  }
0xba: {  	s29 =	simm.s32 $0x9;
	_ =	strace $0x8000004B  }
0xbb: {  	_ =	swait.ge [sflag:s29], $0x1  }
0xbc: {  	[sflag:s29] =	ssyncadd.s32 $0xFFFFFFFF  }
0xbd: {  	_ =	strace $0x9000004B  }
0xbe: {  	_ =	sfence  }
0xbf: {  	s30 =	sld [smem:$0x0];
	_ =	sdelay $0x2  }
0xc0: {  	s31 =	sshll.u32 s1, $0xD;
	s1 =	sshrl.u32 s1, $0x2  }
0xc1: {  	s3 =	sand.u32 $0x4000, s31;
	s1 =	sadd.s32 s1, s30  }
0xc2: {  	s0 =	sor.u32 s3, s0;
	s1 =	sshll.u32 s1, $0x11  }
0xc3: {  	s0 =	sor.u32 s1, s0  }
0xc4: {  	s0 =	sadd.s32 $0x8F2B, s0  }
0xc5: {  	[sflag:s0] =	ssyncadd.remote.s32 $0x1  }
0xc6: {  	_ =	sfence.sel $0xFFFF  }
0xc7: {  	[dreg:$0x0] =	wrdreg $0xFFFFFFFF;
	(pc) =	sbr.abs _section_cstart, $3  }
0xc8: {  	[dreg:$0x1] =	wrdreg $0xFFFFFFFF  }
0xc9: {  	_ =	task.clear_ibuf [dreg:s8], $0x2FFFF;
	_ =	strace $0x9FFFFFFF  }
0xca: {  	(tm) =	ssettm $0x7FFFFFFF  }
0xcb: {  	_ =	shalt  }
tec
execute0_lowered:
.L_overlay_start_1:
0x0: {  	(tag) =	ssettag $0x1  }
0x1: {  	s0 =	rddreg [dreg:$0x0]  }
0x2: {  	s1 =	rddreg [dreg:$0x1]  }
0x3: {  	s3 =	rddreg [dreg:$0x3]  }
0x4: {  	s5 =	simm.s32 $0x0;
	s2 =	srdreg.scid;
	s10 =	stileid.u32  }
0x5: {  	s28 =	simm.s32 $0x4;
	s29 =	simm.s32 $0x2;
	s30 =	simm.s32 $0x3  }
0x6: {  	s31 =	simm.s32 $0x100;
	[smem:$0x7FF] =	sst s5;
	s7 =	smul.u32 $0x1388, s10  }
0x7: {  	s2 =	sand.u32 $0x1, s2;
	s6 =	sadd.s32 $0x1C3C400, s0;
	s9 =	smul.u32 $0x4E000, s10  }
0x8: {  	s0 =	sadd.s32 $0x9DE00, s0;
	s13 =	smul.u32 $0x2700, s10;
	p0 =	seq.s32 s10, $0xF  }
0x9: {  	s4 =	smul.u32 $0x13880, s2;
	_ =	strace $0x8000004A;
	s8 =	ssub.s32 $0x2, s2  }
0xa: {  	[dreg:$0x5] =	wrdreg s0;
	s2 =	smul.u32 $0x138800, s2;
	s19 =	sshrl.u32 s8, $0x1  }
0xb: {  	s20 =	sshrl.u32 s9, $0x2;
	s4 =	sadd.s32 s7, s4;
	s0 =	ssub.s32 s8, s19  }
0xc: {  	s7 =	sadd.s32 s20, s3;
	[dreg:$0x7] =	wrdreg s2;
	s8 =	sadd.s32 $0x124800, s3  }
0xd: {  	s21 =	sshrl.u32 s4, $0x3;
	s22 =	sadd.s32 $0x80, s4;
	s0 =	smax.u32 s0, $0x1  }
0xe: {  	s15 =	sadd.s32 $0x100, s4;
	s18 =	sshrl.u32 @p0 s8, $0x3;
	s20 =	sshrl.u32 @!p0 s7, $0x3  }
0xf: {  	s4 =	simm.s32 $0x0;
	s11 =	smul.u32 $0x1400, s21;
	s12 =	sadd.s32 s1, s21  }
0x10: {  	s23 =	sshrl.u32 s22, $0x3;
	[dreg:$0xa] =	wrdreg s0;
	s0 =	sshll.u32 @!p0 s10, $0x6  }
0x11: {  	s21 =	simm.s32 $0x400;
	s22 =	simm.s32 $0x1400;
	[dreg:$0x6] =	wrdreg s12  }
0x12: {  	s24 =	sadd.s32 $0x270, s12;
	s25 =	smul.u32 $0x280, s23;
	s17 =	sadd.s32 s23, s1  }
0x13: {  	s19 =	sor.u32 @!p0 $0x1C03, s0;
	s23 =	simm.s32 $0x180;
	s0 =	simm.s32 $0x8180  }
0x14: {  	[dreg:$0x8] =	wrdreg s24;
	s12 =	smov.u32 s11;
	s11 =	sadd.s32 $0x30C000, s11  }
0x15: {  	s24 =	simm.s32 $0x80;
	[dreg:$0x9] =	wrdreg s11;
	s26 =	sadd.s32 s25, s6  }
0x16: {  	s25 =	simm.s32 $0x4180;
	[dreg:$0xb] =	wrdreg s26;
	s26 =	simm.s32 $0x1  }
.LBB2_1:
0x17: {  	[dreg:$0xc] =	wrdreg s4  }
0x18: {  	s16 =	rddreg [dreg:$0xb];
	s14 =	simm.s32 $0x0  }
.LBB2_2:
0x19: {  	s2 =	simm.s32 @p0 $0x1FC3;
	s4 =	rddreg [dreg:$0x2]  }
0x1a: {  	[spmem:s18], [sflag:s2] =	dma.local @p0 [hbm:s4], $0x2800  }
0x1b: {  	s2 =	simm.s32 @p0 $0x3  }
0x1c: {  	_ =	swait.ge @p0 [sflag:s2], $0x2800  }
0x1d: {  	[sflag:s2] =	ssyncset.done @p0 $0x0  }
0x1e: {  	[sflag:s2] =	ssyncadd.s32 @p0 $0xFFFFD800;
	s2 =	simm.s32 @!p0 $0x3  }
0x1f: {  	[spmem:s20], [sflag:s19] =	dma.local @!p0 [hbm:s4], $0x2700  }
0x20: {  	_ =	swait.ge @!p0 [sflag:s2], $0x2700  }
0x21: {  	[sflag:s2] =	ssyncset.done @!p0 $0x0  }
0x22: {  	[sflag:s2] =	ssyncadd.s32 @!p0 $0xFFFFD900  }
0x23: {  	[bflag:$0x0] =	sbarrier.arrive $0xFFFF  }
0x24: {  	s4 =	simm.s32 $0x0;
	s7 =	rddreg [dreg:$0x6]  }
0x25: {  	[tilespmem:s4], [sflag:$0x1] =	stream.linear.gather [hbm4b:s7+s4], $0x80, $0x38;
	[tilespmem:$0x1BE00] =	vst v63  }
0x26: {  	s4 =	sshll.u32 s14, $0xA  }
0x27: {  	s8 =	sadd.s32 s12, s4  }
0x28: {  	s2 =	sshrl.u32 s8, $0x3  }
0x29: {  	s2 =	sadd.s32 s6, s2  }
0x2a: {  	[tilespmem:s23], [sflag:$0x1] =	stream.strided.gather [hbm4b:s2+s21], $0x4000, s22, s21, $0x38;
	[tilespmem:$0x1BE00] =	vst v63  }
0x2b: {  	s9 =	sadd.s32 $0x0, s17  }
0x2c: {  	[tilespmem:s24], [sflag:$0x2] =	stream.linear.gather [hbm4b:s9+s5], $0x80, $0x38;
	[tilespmem:$0x1BE00] =	vst v63  }
0x2d: {  	_ = 	snop  }
0x2e: {  	[tilespmem:s25], [sflag:$0x2] =	stream.strided.gather [hbm4b:s16+s21], $0x4000, s22, s21, $0x38;
	[tilespmem:$0x1BE00] =	vst v63  }
0x2f: {  	_ =	swait.ge [sflag:s26], $0x80  }
0x30: {  	[sflag:s26] =	ssyncset.done $0x0  }
0x31: {  	[sflag:s26] =	ssyncadd.s32 $0xFFFFFF80  }
0x32: {  	_ =	swait.ge [sflag:s26], $0x4000  }
0x33: {  	s10 =	sshrl.u32 s15, $0x3;
	[sflag:s26] =	ssyncset.done $0x0  }
0x34: {  	s7 =	smul.u32 $0x1400, s10;
	[sflag:s26] =	ssyncadd.s32 $0xFFFFC000  }
0x35: {  	[spmem:s3] =	stream.indirect.scatter.add.f32 [tilespmem:s23], [sflag:$0x4], $0x80, s5, s24, $0xb8;
	[tilespmem:$0x1BE00] =	vst v63  }
0x36: {  	_ =	swait.ge [sflag:s28], $0x4000  }
0x37: {  	s7 =	sadd.s32 s4, s7;
	[sflag:s28] =	ssyncset.done $0x0  }
0x38: {  	s7 =	sshrl.u32 s7, $0x3;
	s2 =	sadd.s32 s1, s10;
	[sflag:s28] =	ssyncadd.s32 $0xFFFFC000  }
0x39: {  	[tilespmem:s5], [sflag:$0x1] =	stream.linear.gather [hbm4b:s2+s5], $0x80, $0x38;
	[tilespmem:$0x1BE00] =	vst v63  }
0x3a: {  	s11 =	sadd.s32 s6, s7  }
0x3b: {  	[tilespmem:s23], [sflag:$0x1] =	stream.strided.gather [hbm4b:s11+s21], $0x4000, s22, s21, $0x38;
	[tilespmem:$0x1BE00] =	vst v63  }
0x3c: {  	_ =	swait.ge [sflag:s29], $0x80  }
0x3d: {  	[sflag:s29] =	ssyncset.done $0x0  }
0x3e: {  	[sflag:s29] =	ssyncadd.s32 $0xFFFFFF80  }
0x3f: {  	_ =	swait.ge [sflag:s29], $0x4000  }
0x40: {  	[sflag:s29] =	ssyncset.done $0x0  }
0x41: {  	s8 =	simm.s32 $0x20;
	s7 =	sadd.s32 $0x5000, s16;
	[sflag:s29] =	ssyncadd.s32 $0xFFFFC000  }
0x42: {  	[spmem:s3] =	stream.indirect.scatter.add.f32 [tilespmem:s25], [sflag:$0x3], $0x80, s24, s24, $0xb8;
	[tilespmem:$0x1BE00] =	vst v63  }
0x43: {  	s9 =	simm.s32 $0x40;
	s2 =	sadd.s32 $0x100, s15;
	_ =	swait.ge [sflag:s30], $0x4000  }
.LBB2_3:
0x44: {  	s10 =	sadd.s32 s8, s17  }
0x45: {  	[sflag:s30] =	ssyncset.done $0x0;
	s8 =	smov.u32 s9;
	s11 =	sadd.s32 $0x20, s9  }
0x46: {  	p1 =	sne.s32 s9, $0x240;
	[sflag:s30] =	ssyncadd.s32 $0xFFFFC000  }
0x47: {  	[tilespmem:s24], [sflag:$0x2] =	stream.linear.gather [hbm4b:s10+s5], $0x80, $0x38;
	[tilespmem:$0x1BE00] =	vst v63  }
0x48: {  	_ = 	snop  }
0x49: {  	[tilespmem:s25], [sflag:$0x2] =	stream.strided.gather [hbm4b:s7+s21], $0x4000, s22, s21, $0x38;
	[tilespmem:$0x1BE00] =	vst v63  }
0x4a: {  	_ =	swait.ge [sflag:s26], $0x80  }
0x4b: {  	[sflag:s26] =	ssyncset.done $0x0  }
0x4c: {  	[sflag:s26] =	ssyncadd.s32 $0xFFFFFF80  }
0x4d: {  	_ =	swait.ge [sflag:s26], $0x4000  }
0x4e: {  	s9 =	sshrl.u32 s2, $0x3;
	[sflag:s26] =	ssyncset.done $0x0  }
0x4f: {  	s10 =	smul.u32 $0x1400, s9;
	[sflag:s26] =	ssyncadd.s32 $0xFFFFC000  }
0x50: {  	[spmem:s3] =	stream.indirect.scatter.add.f32 [tilespmem:s23], [sflag:$0x4], $0x80, s5, s24, $0xb8;
	[tilespmem:$0x1BE00] =	vst v63  }
0x51: {  	_ =	swait.ge [sflag:s28], $0x4000  }
0x52: {  	s9 =	sadd.s32 s1, s9;
	s10 =	sadd.s32 s4, s10;
	[sflag:s28] =	ssyncset.done $0x0  }
0x53: {  	s10 =	sshrl.u32 s10, $0x3;
	[sflag:s28] =	ssyncadd.s32 $0xFFFFC000  }
0x54: {  	[tilespmem:s5], [sflag:$0x1] =	stream.linear.gather [hbm4b:s9+s5], $0x80, $0x38;
	[tilespmem:$0x1BE00] =	vst v63  }
0x55: {  	s9 =	sadd.s32 s6, s10  }
0x56: {  	[tilespmem:s23], [sflag:$0x1] =	stream.strided.gather [hbm4b:s9+s21], $0x4000, s22, s21, $0x38;
	[tilespmem:$0x1BE00] =	vst v63  }
0x57: {  	_ =	swait.ge [sflag:s29], $0x80  }
0x58: {  	[sflag:s29] =	ssyncset.done $0x0  }
0x59: {  	[sflag:s29] =	ssyncadd.s32 $0xFFFFFF80  }
.Ltmp0:
0x5a: {  	_ =	swait.ge [sflag:s29], $0x4000;
	(pc) =	sbr.rel @p1 .LBB2_3-.Ltmp0, $4  }
0x5b: {  	[sflag:s29] =	ssyncset.done $0x0  }
0x5c: {  	s2 =	sadd.s32 $0x100, s2;
	[sflag:s29] =	ssyncadd.s32 $0xFFFFC000  }
0x5d: {  	[spmem:s3] =	stream.indirect.scatter.add.f32 [tilespmem:s25], [sflag:$0x3], $0x80, s24, s24, $0xb8;
	[tilespmem:$0x1BE00] =	vst v63  }
0x5e: {  	s7 =	sadd.s32 $0x5000, s7;
	s9 =	smov.u32 s11;
	_ =	swait.ge [sflag:s30], $0x4000  }
0x5f: {  	[sflag:s30] =	ssyncset.done $0x0  }
0x60: {  	s8 =	sadd.s32 s8, s17;
	[sflag:s30] =	ssyncadd.s32 $0xFFFFC000  }
0x61: {  	[tilespmem:s24], [sflag:$0x2] =	stream.linear.gather [hbm4b:s8+s5], $0x80, $0x38;
	[tilespmem:$0x1BE00] =	vst v63  }
0x62: {  	_ = 	snop  }
0x63: {  	[tilespmem:s25], [sflag:$0x2] =	stream.strided.gather [hbm4b:s7+s21], $0x4000, s22, s21, $0x38;
	[tilespmem:$0x1BE00] =	vst v63  }
0x64: {  	_ =	swait.ge [sflag:s26], $0x80  }
0x65: {  	[sflag:s26] =	ssyncset.done $0x0  }
0x66: {  	[sflag:s26] =	ssyncadd.s32 $0xFFFFFF80  }
0x67: {  	_ =	swait.ge [sflag:s26], $0x4000  }
0x68: {  	s2 =	sshrl.u32 s2, $0x3;
	[sflag:s26] =	ssyncset.done $0x0  }
0x69: {  	s9 =	smul.u32 $0x1400, s2;
	[sflag:s26] =	ssyncadd.s32 $0xFFFFC000  }
0x6a: {  	[spmem:s3] =	stream.indirect.scatter.add.f32 [tilespmem:s23], [sflag:$0x4], $0x80, s5, s24, $0xb8;
	[tilespmem:$0x1BE00] =	vst v63  }
0x6b: {  	_ =	swait.ge [sflag:s28], $0x4000  }
0x6c: {  	s7 =	sadd.s32 s4, s9;
	[sflag:s28] =	ssyncset.done $0x0  }
0x6d: {  	s2 =	sadd.s32 s1, s2;
	s7 =	sshrl.u32 s7, $0x3;
	[sflag:s28] =	ssyncadd.s32 $0xFFFFC000  }
0x6e: {  	[tilespmem:s5], [sflag:$0x1] =	stream.linear.gather [hbm4b:s2+s5], $0x80, $0x38;
	[tilespmem:$0x1BE00] =	vst v63  }
0x6f: {  	s10 =	sadd.s32 s6, s7  }
0x70: {  	[tilespmem:s23], [sflag:$0x1] =	stream.strided.gather [hbm4b:s10+s21], $0x4000, s22, s21, $0x38;
	[tilespmem:$0x1BE00] =	vst v63  }
0x71: {  	_ =	swait.ge [sflag:s29], $0x80  }
0x72: {  	[sflag:s29] =	ssyncset.done $0x0  }
0x73: {  	[sflag:s29] =	ssyncadd.s32 $0xFFFFFF80  }
0x74: {  	_ =	swait.ge [sflag:s29], $0x4000  }
0x75: {  	[sflag:s29] =	ssyncset.done $0x0  }
0x76: {  	[sflag:s29] =	ssyncadd.s32 $0xFFFFC000  }
0x77: {  	[spmem:s3] =	stream.indirect.scatter.add.f32 [tilespmem:s25], [sflag:$0x3], $0x80, s24, s24, $0xb8;
	[tilespmem:$0x1BE00] =	vst v63  }
0x78: {  	_ =	swait.ge [sflag:s30], $0x4000  }
0x79: {  	[sflag:s30] =	ssyncset.done $0x0  }
0x7a: {  	[sflag:s30] =	ssyncadd.s32 $0xFFFFC000  }
0x7b: {  	_ =	swait.ge [sflag:s26], $0x80  }
0x7c: {  	[sflag:s26] =	ssyncset.done $0x0  }
0x7d: {  	[sflag:s26] =	ssyncadd.s32 $0xFFFFFF80  }
0x7e: {  	_ =	swait.ge [sflag:s26], $0x4000  }
0x7f: {  	[sflag:s26] =	ssyncset.done $0x0  }
0x80: {  	[sflag:s26] =	ssyncadd.s32 $0xFFFFC000  }
0x81: {  	[spmem:s3] =	stream.indirect.scatter.add.f32 [tilespmem:s23], [sflag:$0x4], $0x80, s5, s24, $0xb8;
	[tilespmem:$0x1BE00] =	vst v63  }
0x82: {  	_ =	swait.ge [sflag:s28], $0x4000  }
0x83: {  	[sflag:s28] =	ssyncset.done $0x0  }
0x84: {  	s11 =	rddreg [dreg:$0x8];
	[sflag:s28] =	ssyncadd.s32 $0xFFFFC000  }
0x85: {  	[tilespmem:s31], [sflag:$0x3] =	stream.linear.gather [hbm4b:s11+s5], $0x8, $0x38;
	[tilespmem:$0x1BE00] =	vst v63  }
0x86: {  	_ =	swait.ge [sflag:s30], $0x8  }
0x87: {  	s7 =	rddreg [dreg:$0x9]  }
0x88: {  	s2 =	sadd.s32 s7, s4  }
0x89: {  	[sflag:s30] =	ssyncset.done $0x0;
	s2 =	sshrl.u32 s2, $0x3  }
0x8a: {  	[sflag:s30] =	ssyncadd.s32 $0xFFFFFFF8;
	s2 =	sadd.s32 s6, s2  }
0x8b: {  	[tilespmem:s0], [sflag:$0x3] =	stream.linear.gather [hbm4b:s2+s5], $0x400, $0x38;
	[tilespmem:$0x1BE00] =	vst v63  }
0x8c: {  	_ =	swait.ge [sflag:s30], $0x400  }
0x8d: {  	[sflag:s30] =	ssyncset.done $0x0  }
0x8e: {  	s9 =	simm.s32 $0x8;
	[sflag:s30] =	ssyncadd.s32 $0xFFFFFC00  }
0x8f: {  	[spmem:s3] =	stream.indirect.scatter.add.f32 [tilespmem:s0], [sflag:$0x3], $0x80, s31, s9, $0xb8;
	[tilespmem:$0x1BE00] =	vst v63  }
0x90: {  	s8 =	smul.u32 $0x271000, s14;
	_ =	swait.ge [sflag:s30], $0x400  }
0x91: {  	s10 =	rddreg [dreg:$0x7]  }
0x92: {  	s2 =	sadd.s32 s10, s8  }
0x93: {  	[sflag:s30] =	ssyncset.done $0x0;
	s11 =	rddreg [dreg:$0x5];
	s2 =	sshrl.u32 s2, $0x3  }
0x94: {  	[sflag:s30] =	ssyncadd.s32 $0xFFFFFC00;
	s2 =	sadd.s32 s11, s2  }
0x95: {  	s7 =	simm.s32 @p0 $0x1FC3;
	[bflag:$0x0] =	sbarrier.arrive $0xFFFF;
	s4 =	sadd.s32 @p0 $0x24900, s2  }
0x96: {  	[hbm:s4], [sflag:s7] =	dma.local @p0 [spmem:s18], $0x2800  }
0x97: {  	s4 =	simm.s32 @p0 $0x3  }
0x98: {  	_ =	swait.ge @p0 [sflag:s4], $0x2800  }
0x99: {  	[sflag:s4] =	ssyncset.done @p0 $0x0  }
0x9a: {  	s14 =	sadd.s32 $0x1, s14;
	s2 =	sadd.s32 @!p0 s13, s2;
	[sflag:s4] =	ssyncadd.s32 @p0 $0xFFFFD800  }
0x9b: {  	[hbm:s2], [sflag:s19] =	dma.local @!p0 [spmem:s20], $0x2700  }
0x9c: {  	p1 =	sne.s32 s14, $0x5;
	s2 =	simm.s32 @!p0 $0x3  }
.Ltmp1:
0x9d: {  	_ =	swait.ge @!p0 [sflag:s2], $0x2700;
	(pc) =	sbr.rel @p1 .LBB2_2-.Ltmp1, $4  }
0x9e: {  	[sflag:s2] =	ssyncset.done @!p0 $0x0  }
0x9f: {  	[sflag:s2] =	ssyncadd.s32 @!p0 $0xFFFFD900  }
0xa0: {  	[bflag:$0x0] =	sbarrier.arrive $0xFFFF  }
0xa1: {  	s16 =	sadd.s32 $0x80, s16  }
0xa2: {  	s4 =	rddreg [dreg:$0xc]  }
0xa3: {  	s2 =	rddreg [dreg:$0xa];
	s4 =	sadd.s32 $0x1, s4  }
0xa4: {  	p1 =	sne.s32 s4, s2  }
.Ltmp2:
0xa5: {  	_ = 	snop;
	(pc) =	sbr.rel @p1 .LBB2_1-.Ltmp2, $1  }
0xa6: {  	_ =	sdelay $0x3  }
0xa7: {  	_ =	sfence.sel $0x180000  }
0xa8: {  	[bflag:$0x0] =	sbarrier.arrive $0xFFFF  }
0xa9: {  	_ =	strace $0x9000004A  }
0xaa: {  	s0 =	stileid.u32;
	[bflag:$0x2] =	sbarrier.arrive $0xFFFF  }
0xab: {  	p0 =	sne.s32 s0, $0x0;
	s0 =	rddreg [dreg:$0x4]  }
0xac: {  	s0 =	sadd.s32 @!p0 $0x100000, s0  }
0xad: {  	[sflag:s0] =	ssyncadd.tile.s32 @!p0 $0x1;
	_ =	shalt  }
.Lfunc_end2:
_tile_overlayer_lowered:
.L_overlay_start_2:
0xae: {  	(tag) =	ssettag $0x2  }
0xaf: {  	s0 =	rddreg [dreg:$0x0];
	s2 =	stileid.u32  }
0xb0: {  	s1 =	rddreg [dreg:$0x1];
	p0 =	sne.s32 s2, $0x0  }
0xb1: {  	s3 =	rddreg [dreg:$0x2];
	[bflag:$0x3] =	sbarrier.arrive $0xFFFF;
	s2 =	simm.s32 @!p0 $0x1C03  }
0xb2: {  	[timem:s3], [sflag:s2] =	dma.local @!p0 [hbm:s0], s1  }
0xb3: {  	s0 =	simm.s32 @!p0 $0x3  }
0xb4: {  	_ =	swait.ge @!p0 [sflag:s0], s1  }
0xb5: {  	s1 =	ssub.s32 @!p0 $0x0, s1;
	[sflag:s0] =	ssyncset.done @!p0 $0x0  }
0xb6: {  	[sflag:s0] =	ssyncadd.s32 @!p0 s1  }
0xb7: {  	[bflag:$0x3] =	sbarrier.arrive $0xFFFF  }
0xb8: {  	_ =	shalt  }

// kernel: kernel.7.cloned.1.call-start
scs
__scs_entry_jumppad:
0x0: {  	(pc) =	sbr.rel $0x88, $3  }
0x1: {  	(tag) =	ssettag $0x0;
	lr =	simm.s32 $0x1  }
0x2: {  	[smem:$0x3F95] =	sst lr;
	_ =	strace $0xD0000000  }
0x3: {  	_ = 	snop  }
0x4: {  	_ = 	snop  }
0x5: {  	_ = 	snop  }
0x6: {  	_ = 	snop  }
0x7: {  	_ = 	snop  }
__scs_overlays_trampoline_lowered:
0x8: {  	[smem:$0x3FA4] =	sst s0  }
0x9: {  	[smem:$0x3FA5] =	sst s1  }
0xa: {  	[smem:$0x3FA6] =	sst s2  }
0xb: {  	[smem:$0x3FA7] =	sst s3  }
0xc: {  	[smem:$0x3FA8] =	sst s4  }
0xd: {  	[smem:$0x3FA9] =	sst s5  }
0xe: {  	[smem:$0x3FAA] =	sst s6  }
0xf: {  	[smem:$0x3FAB] =	sst s7  }
0x10: {  	[smem:$0x3FAC] =	sst s8  }
0x11: {  	[smem:$0x3FAD] =	sst s9;
	s0 =	simm.s32 @!p0 $0x0  }
0x12: {  	s1 =	sld [smem:$0x3F93];
	s0 =	simm.s32 @p0 $0x1  }
0x13: {  	[smem:$0x3FAE] =	sst s0;
	s0 =	simm.s32 @!p1 $0x0  }
0x14: {  	s2 =	sld [smem:$0x3F92];
	s0 =	simm.s32 @p1 $0x1  }
0x15: {  	[smem:$0x3FAF] =	sst s0;
	s0 =	simm.s32 @!p2 $0x0  }
0x16: {  	s3 =	sld [smem:$0x3FDB];
	s0 =	simm.s32 @p2 $0x1  }
0x17: {  	s4 =	simm.s32 $0x1BF5;
	[smem:$0x3FB1] =	sst s0  }
0x18: {  	s0 =	sld [smem:$0x3F94];
	_ =	swait.ge [sflag:s4], $0x0  }
0x19: {  	s7 =	sld [smem:$0x3F95]  }
0x1a: {  	s8 =	sadd.s32 $0xFFFFE003, lr  }
0x1b: {  	s9 =	sadd.s32 $0xFFFFFEF7, lr;
	s5 =	simm.s32 $0xFFFFFFFF;
	p2 =	slt.u32 s8, $0xFFFFF086  }
0x1c: {  	p1 =	slt.u32 s9, $0xF7A;
	s5 =	simm.s32 @!p2 $0x0  }
0x1d: {  	s5 =	simm.s32 @p1 $0x1;
	p0 =	seq.s32 s7, s2  }
0x1e: {  	s7 =	smul.u32 @!p0 $0xF7A, s2;
	p2 =	seq.s32 @!p0 s5, $0x0  }
0x1f: {  	s9 =	smul.u32 $0xF7A, s1;
	s8 =	simm.s32 @!p0 $0x1BF5;
	p2 =	por !p2, p0  }
0x20: {  	[sflag:s8] =	ssyncset.s32 @!p0 $0xFFFFF086;
	s6 =	sadd.s32 @!p0 s3, s7;
	s7 =	simm.s32 @!p0 $0x108  }
0x21: {  	s3 =	sadd.s32 s3, s9;
	s6 =	sadd.s32 @!p0 $0x88, s6;
	s7 =	simm.s32 @p2 $0x1082  }
0x22: {  	[simem:s7], [sflag:s8] =	dma.local @!p0 [hbm:s6], $0xF7A  }
0x23: {  	s9 =	sor.u32 $0xD0000000, s2;
	s6 =	simm.s32 $0x108;
	_ =	swait.ge @!p0 [sflag:s8], $0x0  }
0x24: {  	s3 =	sadd.s32 $0x88, s3;
	s6 =	simm.s32 @!p1 $0x1082;
	[sflag:s4] =	ssyncset.s32 $0xFFFFF086  }
0x25: {  	[simem:s6], [sflag:s4] =	dma.local [hbm:s3], $0xF7A  }
0x26: {  	[smem:$0x3F95] =	sst s1;
	(tag) =	ssettag s2;
	_ =	strace s9  }
0x27: {  	s1 =	sld [smem:$0x3FA5]  }
0x28: {  	s2 =	sld [smem:$0x3FA6]  }
0x29: {  	s4 =	sld [smem:$0x3FA8]  }
0x2a: {  	p0 =	seq.s32 s5, $0x0;
	s5 =	sld [smem:$0x3FA9]  }
0x2b: {  	s6 =	sld [smem:$0x3FAA]  }
0x2c: {  	s7 =	sld [smem:$0x3FAB]  }
0x2d: {  	s3 =	simm.s32 $0x108;
	s8 =	sld [smem:$0x3FAC]  }
0x2e: {  	s3 =	simm.s32 @!p0 $0x1082;
	s9 =	sld [smem:$0x3FAD]  }
0x2f: {  	lr =	sadd.s32 s0, s3;
	s0 =	sld [smem:$0x3FA4]  }
0x30: {  	s3 =	sld [smem:$0x3FA7]  }
0x31: {  	[smem:$0x3FB0] =	sst s10  }
0x32: {  	s10 =	sld [smem:$0x3FAE];
	_ =	sdelay $0x3  }
0x33: {  	p0 =	seq.s32 s10, $0x1;
	s10 =	sld [smem:$0x3FB0];
	_ =	sdelay $0x3  }
0x34: {  	[smem:$0x3FB0] =	sst s10  }
0x35: {  	s10 =	sld [smem:$0x3FAF];
	_ =	sdelay $0x3  }
0x36: {  	p1 =	seq.s32 s10, $0x1;
	s10 =	sld [smem:$0x3FB0];
	_ =	sdelay $0x3  }
0x37: {  	[smem:$0x3FB0] =	sst s10  }
0x38: {  	s10 =	sld [smem:$0x3FB1]  }
0x39: {  	_ = 	snop;
	(pc) =	sbr.ind lr, $3  }
0x3a: {  	_ = 	snop  }
0x3b: {  	_ = 	snop  }
0x3c: {  	p2 =	seq.s32 s10, $0x1;
	s10 =	sld [smem:$0x3FB0]  }
0x3d: {  	_ =	shalt  }
0x3e: {  	_ =	shalt  }
0x3f: {  	_ =	shalt  }
0x40: {  	_ =	shalt  }
0x41: {  	_ =	shalt  }
0x42: {  	_ =	shalt  }
0x43: {  	_ =	shalt  }
0x44: {  	_ =	shalt  }
0x45: {  	_ =	shalt  }
0x46: {  	_ =	shalt  }
0x47: {  	_ =	shalt  }
0x48: {  	_ =	shalt  }
0x49: {  	_ =	shalt  }
0x4a: {  	_ =	shalt  }
0x4b: {  	_ =	shalt  }
0x4c: {  	_ =	shalt  }
0x4d: {  	_ =	shalt  }
0x4e: {  	_ =	shalt  }
0x4f: {  	_ =	shalt  }
0x50: {  	_ =	shalt  }
0x51: {  	_ =	shalt  }
0x52: {  	_ =	shalt  }
0x53: {  	_ =	shalt  }
0x54: {  	_ =	shalt  }
0x55: {  	_ =	shalt  }
0x56: {  	_ =	shalt  }
0x57: {  	_ =	shalt  }
0x58: {  	_ =	shalt  }
0x59: {  	_ =	shalt  }
0x5a: {  	_ =	shalt  }
0x5b: {  	_ =	shalt  }
0x5c: {  	_ =	shalt  }
0x5d: {  	_ =	shalt  }
0x5e: {  	_ =	shalt  }
0x5f: {  	_ =	shalt  }
0x60: {  	_ =	shalt  }
0x61: {  	_ =	shalt  }
0x62: {  	_ =	shalt  }
0x63: {  	_ =	shalt  }
0x64: {  	_ =	shalt  }
0x65: {  	_ =	shalt  }
0x66: {  	_ =	shalt  }
0x67: {  	_ =	shalt  }
0x68: {  	_ =	shalt  }
0x69: {  	_ =	shalt  }
0x6a: {  	_ =	shalt  }
0x6b: {  	_ =	shalt  }
0x6c: {  	_ =	shalt  }
0x6d: {  	_ =	shalt  }
0x6e: {  	_ =	shalt  }
0x6f: {  	_ =	shalt  }
0x70: {  	_ =	shalt  }
0x71: {  	_ =	shalt  }
0x72: {  	_ =	shalt  }
0x73: {  	_ =	shalt  }
0x74: {  	_ =	shalt  }
0x75: {  	_ =	shalt  }
0x76: {  	_ =	shalt  }
0x77: {  	_ =	shalt  }
0x78: {  	_ =	shalt  }
0x79: {  	_ =	shalt  }
0x7a: {  	_ =	shalt  }
0x7b: {  	_ =	shalt  }
0x7c: {  	_ =	shalt  }
0x7d: {  	_ =	shalt  }
0x7e: {  	_ =	shalt  }
0x7f: {  	_ =	shalt  }
0x80: {  	_ =	shalt  }
0x81: {  	_ =	shalt  }
0x82: {  	_ =	shalt  }
0x83: {  	_ =	shalt  }
0x84: {  	_ =	shalt  }
0x85: {  	_ =	shalt  }
0x86: {  	_ =	shalt  }
0x87: {  	_ =	shalt  }
.Lfunc_end0:
.L_simem_size_0:
called_computation_lowered:
.L_overlay_start_0:
0x88: {  	s2 =	sld [smem:$0x3FD9]  }
0x89: {  	s3 =	sld [smem:$0x3FFE];
	_ =	sdelay $0x1  }
0x8a: {  	s1 =	srdreg.scid  }
0x8b: {  	s0 =	sand.u32 $0x1, s1  }
0x8c: {  	s14 =	sshll.u32 s0, $0xA;
	s2 =	sadd.s32 s3, s2  }
0x8d: {  	s2 =	sadd.s32 s2, s14  }
0x8e: {  	[smem:$0x3FBC] =	sst s2  }
0x8f: {  	_ = 	snop  }
0x90: {  	s2 =	sld [smem:$0x3FD0];
	_ =	sdelay $0x2  }
0x91: {  	s15 =	simm.s32 $0xA;
	s4 =	simm.s32 $0x10  }
0x92: {  	[smem:s4], [sflag:s15] =	dma.local [hbm:s2], $0x1  }
0x93: {  	_ =	swait.eq [sflag:s15], $0x1  }
0x94: {  	[sflag:s15] =	ssyncset.done $0x0  }
0x95: {  	[sflag:s15] =	ssyncadd.s32 $0xFFFFFFFF  }
0x96: {  	s16 =	sld [smem:$0x11];
	(tm) =	ssettm $0x1  }
0x97: {  	s17 =	sld [smem:$0x3FFB];
	_ =	sdelay $0x3  }
0x98: {  	_ =	strace s17  }
0x99: {  	s3 =	sld [smem:$0x3FFC];
	_ =	sdelay $0x3  }
0x9a: {  	_ =	strace s3  }
0x9b: {  	s3 =	sld [smem:$0x3FFD];
	_ =	sdelay $0x3  }
0x9c: {  	_ =	strace s3  }
0x9d: {  	_ =	strace $0x8FFFFFFF  }
0x9e: {  	s18 =	sld [smem:$0x3FDB];
	_ =	sdelay $0x1  }
0x9f: {  	s19 =	simm.s32 $_scs_section_size  }
0xa0: {  	s5 =	simm.s32 $_size__tile_overlayer_lowered;
	s6 =	simm.s32 $_tile_overlayer_lowered  }
0xa1: {  	s22 =	simm.s32 $0x1BFF;
	s21 =	sshll.u32 s6, $0x1;
	s3 =	sadd.s32 s19, s18  }
0xa2: {  	s7 =	simm.s32 $0x0;
	s20 =	sshll.u32 s5, $0x1;
	s5 =	sadd.s32 s21, s3  }
0xa3: {  	[timem:s7], [sflag:s22] =	dma.local [hbm:s5], s20  }
0xa4: {  	_ =	swait.ge [sflag:s22], s20  }
0xa5: {  	s4 =	ssub.s32 $0x0, s20;
	[sflag:s22] =	ssyncset.done $0x0  }
0xa6: {  	[sflag:s22] =	ssyncadd.s32 s4;
	_ =	sdelay $0x1  }
0xa7: {  	s23 =	simm.s32 $0x1B8B  }
0xa8: {  	_ =	swait.ge [sflag:s23], $0x1  }
0xa9: {  	[sflag:s23] =	ssyncset.done $0x0  }
0xaa: {  	s25 =	simm.s32 $0x1B8E;
	s24 =	sld [smem:$0x3FFE];
	[sflag:s23] =	ssyncadd.s32 $0xFFFFFFFF  }
0xab: {  	s26 =	simm.s32 $execute0_lowered;
	[smem:$0x3FD2] =	sst s25  }
0xac: {  	s5 =	sshll.u32 s26, $0x1;
	_ =	strace $0x80000046;
	[dreg:$0x1] =	wrdreg $0xFFFFFFFF  }
0xad: {  	s28 =	simm.s32 $_size_execute0_lowered;
	s3 =	sadd.s32 s3, s5;
	[dreg:$0x0] =	wrdreg $0x0  }
0xae: {  	s5 =	sshll.u32 s28, $0x1;
	[dreg:$0x2] =	wrdreg s3  }
0xaf: {  	[dreg:$0x3] =	wrdreg s5  }
0xb0: {  	[dreg:$0x4] =	wrdreg $0xC0  }
0xb1: {  	_ =	task [dreg:s7], $0x5FFFF  }
0xb2: {  	[dreg:$0x1] =	wrdreg $0xFFFFFFFF  }
0xb3: {  	[dreg:$0x0] =	wrdreg $0x60  }
0xb4: {  	[dreg:$0x2] =	wrdreg s24  }
0xb5: {  	[dreg:$0x3] =	wrdreg s16  }
0xb6: {  	[dreg:$0x4] =	wrdreg $0x9  }
0xb7: {  	_ =	task.clear_ibuf [dreg:s7], $0x5FFFF;
	_ =	strace $0x90000046  }
0xb8: {  	s29 =	simm.s32 $0x9;
	_ =	strace $0x80000048  }
0xb9: {  	_ =	swait.ge [sflag:s29], $0x1  }
0xba: {  	[sflag:s29] =	ssyncadd.s32 $0xFFFFFFFF  }
0xbb: {  	_ =	strace $0x90000048  }
0xbc: {  	_ =	sfence  }
0xbd: {  	s30 =	sld [smem:$0x0];
	_ =	sdelay $0x2  }
0xbe: {  	s31 =	sshll.u32 s1, $0xD;
	s1 =	sshrl.u32 s1, $0x2  }
0xbf: {  	s3 =	sand.u32 $0x4000, s31;
	s1 =	sadd.s32 s1, s30  }
0xc0: {  	s0 =	sor.u32 s3, s0;
	s1 =	sshll.u32 s1, $0x11  }
0xc1: {  	s0 =	sor.u32 s1, s0  }
0xc2: {  	s0 =	sadd.s32 $0x8F2B, s0  }
0xc3: {  	[sflag:s0] =	ssyncadd.remote.s32 $0x1  }
0xc4: {  	_ =	sfence.sel $0xFFFF  }
0xc5: {  	[dreg:$0x0] =	wrdreg $0xFFFFFFFF;
	(pc) =	sbr.abs _section_cstart, $3  }
0xc6: {  	[dreg:$0x1] =	wrdreg $0xFFFFFFFF  }
0xc7: {  	_ =	task.clear_ibuf [dreg:s7], $0x2FFFF;
	_ =	strace $0x9FFFFFFF  }
0xc8: {  	(tm) =	ssettm $0x7FFFFFFF  }
0xc9: {  	_ =	shalt  }
tec
execute0_lowered:
.L_overlay_start_1:
0x0: {  	(tag) =	ssettag $0x1  }
0x1: {  	s0 =	rddreg [dreg:$0x0]  }
0x2: {  	s1 =	rddreg [dreg:$0x1]  }
0x3: {  	s2 =	simm.s32 $0x0;
	s3 =	srdreg.scid;
	s5 =	stileid.u32  }
0x4: {  	s12 =	simm.s32 $0x1400;
	s28 =	simm.s32 $0x7800;
	s11 =	simm.s32 $0xB000  }
0x5: {  	s13 =	simm.s32 $0xB400;
	s14 =	simm.s32 $0xBC00;
	s15 =	simm.s32 $0xC400  }
0x6: {  	s16 =	simm.s32 $0xC800;
	s17 =	simm.s32 $0xD000;
	s18 =	simm.s32 $0xD800  }
0x7: {  	s19 =	simm.s32 $0xDC00;
	s20 =	simm.s32 $0x1;
	s21 =	simm.s32 $0x2  }
0x8: {  	s22 =	simm.s32 $0x4;
	s29 =	simm.s32 $0x0;
	[smem:$0x7FF] =	sst s2  }
0x9: {  	s3 =	sand.u32 $0x1, s3;
	s4 =	sshll.u32 s5, $0x1;
	s5 =	smul.u32 $0x2710, s5  }
0xa: {  	s6 =	ssub.s32 $0x2, s3;
	s4 =	sor.u32 s3, s4;
	s7 =	smul.u32 $0x1388, s3  }
0xb: {  	s10 =	sadd.s32 $0x161400, s0;
	s8 =	sshrl.u32 s6, $0x1;
	s4 =	smul.u32 $0x1388, s4  }
0xc: {  	_ =	strace $0x80000047;
	s3 =	sadd.s32 $0x9DE00, s0;
	s8 =	ssub.s32 s6, s8  }
0xd: {  	s5 =	sadd.s32 s7, s5;
	s6 =	sadd.s32 $0x9E000, s0;
	s4 =	sshrl.u32 s4, $0x3  }
0xe: {  	s23 =	sshrl.u32 s5, $0x3;
	s7 =	sadd.s32 $0x28, s5;
	s5 =	sadd.s32 $0x50, s5  }
0xf: {  	s31 =	smax.u32 s8, $0x1;
	s9 =	smul.u32 $0x280, s23;
	s24 =	sshrl.u32 s7, $0x3  }
0x10: {  	s1 =	sadd.s32 s1, s4;
	s26 =	sshrl.u32 s5, $0x3;
	s5 =	sadd.s32 $0x9DF00, s0  }
.Ltmp0:
0x11: {  	[dreg:$0x4] =	wrdreg s31;
	s0 =	simm.s32 $0x9400;
	(pc) =	sbr.rel .LBB2_1-.Ltmp0, $4  }
0x12: {  	s4 =	simm.s32 $0xA000;
	s7 =	simm.s32 $0xA800;
	s25 =	smul.u32 $0x280, s24  }
0x13: {  	v2 =	vlaneseq.u32;
	s23 =	simm.s32 $0x5;
	[dreg:$0x3] =	wrdreg s1;
	s30 =	smul.u32 $0x280, s26  }
0x14: {  	vm0 =	vmmov $0xffff;
	vm1 =	vmmov $0xff;
	v1 =	vshrl.u32 v2, $0x3;
	s1 =	simm.s32 $0x9C00;
	s24 =	simm.s32 $0x6;
	s8 =	sadd.s32 s9, s10  }
0x15: {  	v0 =	vand.u32 $0x7, v2;
	v2 =	vor.u32 $0x8, v2;
	v1 =	vmul.u32 $0x8, v1;
	s9 =	sadd.s32 s25, s10;
	s10 =	sadd.s32 s30, s10;
	s25 =	simm.s32 $0x3  }
.LBB2_6:
0x16: {  	_ =	swait.ge [sflag:s22], $0x6400  }
0x17: {  	[sflag:s22] =	ssyncset.done $0x0  }
0x18: {  	[sflag:s22] =	ssyncadd.s32 $0xFFFF9C00  }
0x19: {  	_ =	swait.ge [sflag:s23], $0x6400  }
0x1a: {  	[sflag:s23] =	ssyncset.done $0x0  }
0x1b: {  	[sflag:s23] =	ssyncadd.s32 $0xFFFF9C00  }
0x1c: {  	_ =	swait.ge [sflag:s24], $0x6400  }
0x1d: {  	s29 =	rddreg [dreg:$0x5]  }
0x1e: {  	s26 =	rddreg [dreg:$0x4];
	s29 =	sadd.s32 $0x1, s29  }
0x1f: {  	p0 =	sne.s32 s29, s26  }
.Ltmp1:
0x20: {  	_ = 	snop;
	(pc) =	sbr.rel @!p0 .LBB2_7-.Ltmp1, $3  }
0x21: {  	_ =	sdelay $0x1  }
0x22: {  	[sflag:s24] =	ssyncset.done $0x0  }
0x23: {  	[sflag:s24] =	ssyncadd.s32 $0xFFFF9C00  }
.LBB2_1:
0x24: {  	[dreg:$0x5] =	wrdreg s29  }
0x25: {  	s26 =	rddreg [dreg:$0x3];
	s31 =	simm.s32 $0x7  }
0x26: {  	[tilespmem:s2], [sflag:$0x7] =	stream.linear.gather [hbm4b:s26+s2], $0x1388, $0x38;
	[tilespmem:$0x14000] =	vst v63  }
0x27: {  	_ =	swait.ge [sflag:s31], $0x1388  }
0x28: {  	[sflag:s31] =	ssyncset.done $0x0  }
0x29: {  	[sflag:s31] =	ssyncadd.s32 $0xFFFFEC78  }
0x2a: {  	v3 =	vld [tilespmem:$0x0];
	_ =	sdelay $0x4  }
0x2b: {  	v4 =	vshrl.u32 v3, $0x3  }
0x2c: {  	v4 =	vmul.u32 $0x28, v4  }
0x2d: {  	v3 =	vand.u32 $0x7, v3  }
0x2e: {  	v3 =	vor.u32 v3, v4  }
0x2f: {  	v4 =	vperm.xlane v3, v0;
	_ =	sdelay $0x1  }
0x30: {  	v4 =	vadd.s32 v1, v4;
	_ =	sdelay $0x3  }
0x31: {  	v3 =	vperm.xlane v3, v2  }
0x32: {  	[tilespmem:s12], [sflag:$0x1] =	stream.indirect_vreg.gather [hbm4b:s3+s2], $0x80, v4, vm0, $0xb8;
	[tilespmem:$0x14000] =	vst v63  }
0x33: {  	s31 =	simm.s32 $0x1C00;
	v3 =	vadd.s32 v1, v3  }
0x34: {  	[tilespmem:s31], [sflag:$0x1] =	stream.indirect_vreg.gather [hbm4b:s5+s2], $0x80, v4, vm0, $0xb8;
	[tilespmem:$0x14000] =	vst v63  }
0x35: {  	s31 =	simm.s32 $0x2400  }
0x36: {  	[tilespmem:s31], [sflag:$0x1] =	stream.indirect_vreg.gather [hbm4b:s6+s2], $0x80, v4, vm1, $0xb8;
	[tilespmem:$0x14000] =	vst v63  }
0x37: {  	s31 =	simm.s32 $0x2800  }
0x38: {  	[tilespmem:s31], [sflag:$0x1] =	stream.indirect_vreg.gather [hbm4b:s3+s2], $0x80, v3, vm0, $0xb8;
	[tilespmem:$0x14000] =	vst v63  }
0x39: {  	s31 =	simm.s32 $0x3000  }
0x3a: {  	[tilespmem:s31], [sflag:$0x1] =	stream.indirect_vreg.gather [hbm4b:s5+s2], $0x80, v3, vm0, $0xb8;
	[tilespmem:$0x14000] =	vst v63  }
0x3b: {  	s31 =	simm.s32 $0x3800  }
0x3c: {  	[tilespmem:s31], [sflag:$0x1] =	stream.indirect_vreg.gather [hbm4b:s6+s2], $0x80, v3, vm1, $0xb8;
	[tilespmem:$0x14000] =	vst v63  }
0x3d: {  	v3 =	vld [tilespmem:$0x10];
	_ =	sdelay $0x4  }
0x3e: {  	v56 =	vshrl.u32 v3, $0x3  }
0x3f: {  	v4 =	vmul.u32 $0x28, v56  }
0x40: {  	v3 =	vand.u32 $0x7, v3  }
0x41: {  	v3 =	vor.u32 v3, v4  }
0x42: {  	v4 =	vperm.xlane v3, v0;
	_ =	sdelay $0x1  }
0x43: {  	v4 =	vadd.s32 v1, v4;
	_ =	sdelay $0x3  }
0x44: {  	s31 =	simm.s32 $0x3C00;
	v3 =	vperm.xlane v3, v2  }
0x45: {  	[tilespmem:s31], [sflag:$0x1] =	stream.indirect_vreg.gather [hbm4b:s3+s2], $0x80, v4, vm0, $0xb8;
	[tilespmem:$0x14000] =	vst v63  }
0x46: {  	v3 =	vadd.s32 v1, v3;
	s31 =	simm.s32 $0x4400  }
0x47: {  	[tilespmem:s31], [sflag:$0x1] =	stream.indirect_vreg.gather [hbm4b:s5+s2], $0x80, v4, vm0, $0xb8;
	[tilespmem:$0x14000] =	vst v63  }
0x48: {  	s31 =	simm.s32 $0x4C00  }
0x49: {  	[tilespmem:s31], [sflag:$0x1] =	stream.indirect_vreg.gather [hbm4b:s6+s2], $0x80, v4, vm1, $0xb8;
	[tilespmem:$0x14000] =	vst v63  }
0x4a: {  	s31 =	simm.s32 $0x5000  }
0x4b: {  	[tilespmem:s31], [sflag:$0x1] =	stream.indirect_vreg.gather [hbm4b:s3+s2], $0x80, v3, vm0, $0xb8;
	[tilespmem:$0x14000] =	vst v63  }
0x4c: {  	s31 =	simm.s32 $0x5800  }
0x4d: {  	[tilespmem:s31], [sflag:$0x1] =	stream.indirect_vreg.gather [hbm4b:s5+s2], $0x80, v3, vm0, $0xb8;
	[tilespmem:$0x14000] =	vst v63  }
0x4e: {  	s31 =	simm.s32 $0x6000  }
0x4f: {  	[tilespmem:s31], [sflag:$0x1] =	stream.indirect_vreg.gather [hbm4b:s6+s2], $0x80, v3, vm1, $0xb8;
	[tilespmem:$0x14000] =	vst v63  }
0x50: {  	v3 =	vld.msk [tilespmem:$0x20], $0xff;
	_ =	sdelay $0x4  }
0x51: {  	v57 =	vshrl.u32 v3, $0x3  }
0x52: {  	v4 =	vmul.u32 $0x28, v57  }
0x53: {  	v3 =	vand.u32 $0x7, v3  }
0x54: {  	v3 =	vor.u32 v3, v4  }
0x55: {  	v3 =	vperm.xlane v3, v0;
	_ =	sdelay $0x1  }
0x56: {  	v3 =	vadd.s32 v1, v3;
	_ =	sdelay $0x3  }
0x57: {  	s31 =	simm.s32 $0x6400  }
0x58: {  	[tilespmem:s31], [sflag:$0x1] =	stream.indirect_vreg.gather [hbm4b:s3+s2], $0x80, v3, vm0, $0xb8;
	[tilespmem:$0x14000] =	vst v63  }
0x59: {  	s31 =	simm.s32 $0x6C00  }
0x5a: {  	[tilespmem:s31], [sflag:$0x1] =	stream.indirect_vreg.gather [hbm4b:s5+s2], $0x80, v3, vm0, $0xb8;
	[tilespmem:$0x14000] =	vst v63  }
0x5b: {  	s31 =	simm.s32 $0x7400  }
0x5c: {  	[tilespmem:s31], [sflag:$0x1] =	stream.indirect_vreg.gather [hbm4b:s6+s2], $0x80, v3, vm1, $0xb8;
	[tilespmem:$0x14000] =	vst v63  }
0x5d: {  	v3 =	vld [tilespmem:$0x28];
	_ =	sdelay $0x4  }
0x5e: {  	v58 =	vshrl.u32 v3, $0x3  }
0x5f: {  	v4 =	vmul.u32 $0x28, v58  }
0x60: {  	v3 =	vand.u32 $0x7, v3  }
0x61: {  	v3 =	vor.u32 v3, v4  }
0x62: {  	v4 =	vperm.xlane v3, v0;
	_ =	sdelay $0x1  }
0x63: {  	v4 =	vadd.s32 v1, v4;
	_ =	sdelay $0x3  }
0x64: {  	v3 =	vperm.xlane v3, v2  }
0x65: {  	[tilespmem:s28], [sflag:$0x2] =	stream.indirect_vreg.gather [hbm4b:s3+s2], $0x80, v4, vm0, $0xb8;
	[tilespmem:$0x14000] =	vst v63  }
0x66: {  	s31 =	simm.s32 $0x8000;
	v3 =	vadd.s32 v1, v3  }
0x67: {  	[tilespmem:s31], [sflag:$0x2] =	stream.indirect_vreg.gather [hbm4b:s5+s2], $0x80, v4, vm0, $0xb8;
	[tilespmem:$0x14000] =	vst v63  }
0x68: {  	s31 =	simm.s32 $0x8800  }
0x69: {  	[tilespmem:s31], [sflag:$0x2] =	stream.indirect_vreg.gather [hbm4b:s6+s2], $0x80, v4, vm1, $0xb8;
	[tilespmem:$0x14000] =	vst v63  }
0x6a: {  	s31 =	simm.s32 $0x8C00  }
0x6b: {  	[tilespmem:s31], [sflag:$0x2] =	stream.indirect_vreg.gather [hbm4b:s3+s2], $0x80, v3, vm0, $0xb8;
	[tilespmem:$0x14000] =	vst v63  }
0x6c: {  	_ = 	snop  }
0x6d: {  	[tilespmem:s0], [sflag:$0x2] =	stream.indirect_vreg.gather [hbm4b:s5+s2], $0x80, v3, vm0, $0xb8;
	[tilespmem:$0x14000] =	vst v63  }
0x6e: {  	_ = 	snop  }
0x6f: {  	[tilespmem:s1], [sflag:$0x2] =	stream.indirect_vreg.gather [hbm4b:s6+s2], $0x80, v3, vm1, $0xb8;
	[tilespmem:$0x14000] =	vst v63  }
0x70: {  	v3 =	vld [tilespmem:$0x38];
	_ =	sdelay $0x4  }
0x71: {  	v59 =	vshrl.u32 v3, $0x3  }
0x72: {  	v4 =	vmul.u32 $0x28, v59  }
0x73: {  	v3 =	vand.u32 $0x7, v3  }
0x74: {  	v3 =	vor.u32 v3, v4  }
0x75: {  	v4 =	vperm.xlane v3, v0;
	_ =	sdelay $0x1  }
0x76: {  	v4 =	vadd.s32 v1, v4;
	_ =	sdelay $0x3  }
0x77: {  	v3 =	vperm.xlane v3, v2  }
0x78: {  	[tilespmem:s4], [sflag:$0x2] =	stream.indirect_vreg.gather [hbm4b:s3+s2], $0x80, v4, vm0, $0xb8;
	[tilespmem:$0x14000] =	vst v63  }
0x79: {  	v3 =	vadd.s32 v1, v3  }
0x7a: {  	[tilespmem:s7], [sflag:$0x2] =	stream.indirect_vreg.gather [hbm4b:s5+s2], $0x80, v4, vm0, $0xb8;
	[tilespmem:$0x14000] =	vst v63  }
0x7b: {  	_ = 	snop  }
0x7c: {  	[tilespmem:s11], [sflag:$0x2] =	stream.indirect_vreg.gather [hbm4b:s6+s2], $0x80, v4, vm1, $0xb8;
	[tilespmem:$0x14000] =	vst v63  }
0x7d: {  	_ = 	snop  }
0x7e: {  	[tilespmem:s13], [sflag:$0x2] =	stream.indirect_vreg.gather [hbm4b:s3+s2], $0x80, v3, vm0, $0xb8;
	[tilespmem:$0x14000] =	vst v63  }
0x7f: {  	_ = 	snop  }
0x80: {  	[tilespmem:s14], [sflag:$0x2] =	stream.indirect_vreg.gather [hbm4b:s5+s2], $0x80, v3, vm0, $0xb8;
	[tilespmem:$0x14000] =	vst v63  }
0x81: {  	_ = 	snop  }
0x82: {  	[tilespmem:s15], [sflag:$0x2] =	stream.indirect_vreg.gather [hbm4b:s6+s2], $0x80, v3, vm1, $0xb8;
	[tilespmem:$0x14000] =	vst v63  }
0x83: {  	v3 =	vld.msk [tilespmem:$0x48], $0xff;
	_ =	sdelay $0x4  }
0x84: {  	v60 =	vshrl.u32 v3, $0x3  }
0x85: {  	v4 =	vmul.u32 $0x28, v60  }
0x86: {  	v3 =	vand.u32 $0x7, v3  }
0x87: {  	v3 =	vor.u32 v3, v4  }
0x88: {  	v3 =	vperm.xlane v3, v0;
	_ =	sdelay $0x1  }
0x89: {  	v3 =	vadd.s32 v1, v3;
	_ =	sdelay $0x4  }
0x8a: {  	[tilespmem:s16], [sflag:$0x2] =	stream.indirect_vreg.gather [hbm4b:s3+s2], $0x80, v3, vm0, $0xb8;
	[tilespmem:$0x14000] =	vst v63  }
0x8b: {  	_ = 	snop  }
0x8c: {  	[tilespmem:s17], [sflag:$0x2] =	stream.indirect_vreg.gather [hbm4b:s5+s2], $0x80, v3, vm0, $0xb8;
	[tilespmem:$0x14000] =	vst v63  }
0x8d: {  	_ = 	snop  }
0x8e: {  	[tilespmem:s18], [sflag:$0x2] =	stream.indirect_vreg.gather [hbm4b:s6+s2], $0x80, v3, vm1, $0xb8;
	[tilespmem:$0x14000] =	vst v63  }
0x8f: {  	v3 =	vld [tilespmem:$0x50];
	_ =	sdelay $0x4  }
0x90: {  	v61 =	vshrl.u32 v3, $0x3  }
0x91: {  	v4 =	vmul.u32 $0x28, v61  }
0x92: {  	v3 =	vand.u32 $0x7, v3  }
0x93: {  	v3 =	vor.u32 v3, v4  }
0x94: {  	v4 =	vperm.xlane v3, v0;
	_ =	sdelay $0x1  }
0x95: {  	v4 =	vadd.s32 v1, v4;
	_ =	sdelay $0x3  }
0x96: {  	v3 =	vperm.xlane v3, v2  }
0x97: {  	[tilespmem:s19], [sflag:$0x3] =	stream.indirect_vreg.gather [hbm4b:s3+s2], $0x80, v4, vm0, $0xb8;
	[tilespmem:$0x14000] =	vst v63  }
0x98: {  	s31 =	simm.s32 $0xE400;
	v3 =	vadd.s32 v1, v3  }
0x99: {  	[tilespmem:s31], [sflag:$0x3] =	stream.indirect_vreg.gather [hbm4b:s5+s2], $0x80, v4, vm0, $0xb8;
	[tilespmem:$0x14000] =	vst v63  }
0x9a: {  	s31 =	simm.s32 $0xEC00  }
0x9b: {  	[tilespmem:s31], [sflag:$0x3] =	stream.indirect_vreg.gather [hbm4b:s6+s2], $0x80, v4, vm1, $0xb8;
	[tilespmem:$0x14000] =	vst v63  }
0x9c: {  	s31 =	simm.s32 $0xF000  }
0x9d: {  	[tilespmem:s31], [sflag:$0x3] =	stream.indirect_vreg.gather [hbm4b:s3+s2], $0x80, v3, vm0, $0xb8;
	[tilespmem:$0x14000] =	vst v63  }
0x9e: {  	s31 =	simm.s32 $0xF800  }
0x9f: {  	[tilespmem:s31], [sflag:$0x3] =	stream.indirect_vreg.gather [hbm4b:s5+s2], $0x80, v3, vm0, $0xb8;
	[tilespmem:$0x14000] =	vst v63  }
0xa0: {  	s31 =	simm.s32 $0x10000  }
0xa1: {  	[tilespmem:s31], [sflag:$0x3] =	stream.indirect_vreg.gather [hbm4b:s6+s2], $0x80, v3, vm1, $0xb8;
	[tilespmem:$0x14000] =	vst v63  }
0xa2: {  	v3 =	vld [tilespmem:$0x60];
	_ =	sdelay $0x4  }
0xa3: {  	v62 =	vshrl.u32 v3, $0x3  }
0xa4: {  	v4 =	vmul.u32 $0x28, v62  }
0xa5: {  	v3 =	vand.u32 $0x7, v3  }
0xa6: {  	v3 =	vor.u32 v3, v4  }
0xa7: {  	v4 =	vperm.xlane v3, v0;
	_ =	sdelay $0x1  }
0xa8: {  	v4 =	vadd.s32 v1, v4;
	_ =	sdelay $0x3  }
0xa9: {  	s31 =	simm.s32 $0x10400;
	v3 =	vperm.xlane v3, v2  }
0xaa: {  	[tilespmem:s31], [sflag:$0x3] =	stream.indirect_vreg.gather [hbm4b:s3+s2], $0x80, v4, vm0, $0xb8;
	[tilespmem:$0x14000] =	vst v63  }
0xab: {  	v3 =	vadd.s32 v1, v3;
	s31 =	simm.s32 $0x10C00  }
0xac: {  	[tilespmem:s31], [sflag:$0x3] =	stream.indirect_vreg.gather [hbm4b:s5+s2], $0x80, v4, vm0, $0xb8;
	[tilespmem:$0x14000] =	vst v63  }
0xad: {  	s31 =	simm.s32 $0x11400  }
0xae: {  	[tilespmem:s31], [sflag:$0x3] =	stream.indirect_vreg.gather [hbm4b:s6+s2], $0x80, v4, vm1, $0xb8;
	[tilespmem:$0x14000] =	vst v63  }
0xaf: {  	s31 =	simm.s32 $0x11800  }
0xb0: {  	[tilespmem:s31], [sflag:$0x3] =	stream.indirect_vreg.gather [hbm4b:s3+s2], $0x80, v3, vm0, $0xb8;
	[tilespmem:$0x14000] =	vst v63  }
0xb1: {  	s31 =	simm.s32 $0x12000  }
0xb2: {  	[tilespmem:s31], [sflag:$0x3] =	stream.indirect_vreg.gather [hbm4b:s5+s2], $0x80, v3, vm0, $0xb8;
	[tilespmem:$0x14000] =	vst v63  }
0xb3: {  	s31 =	simm.s32 $0x12800  }
0xb4: {  	[tilespmem:s31], [sflag:$0x3] =	stream.indirect_vreg.gather [hbm4b:s6+s2], $0x80, v3, vm1, $0xb8;
	[tilespmem:$0x14000] =	vst v63  }
0xb5: {  	v3 =	vld.msk [tilespmem:$0x70], $0xff;
	_ =	sdelay $0x4  }
0xb6: {  	v63 =	vshrl.u32 v3, $0x3  }
0xb7: {  	v4 =	vmul.u32 $0x28, v63  }
0xb8: {  	v3 =	vand.u32 $0x7, v3  }
0xb9: {  	v3 =	vor.u32 v3, v4  }
0xba: {  	v3 =	vperm.xlane v3, v0;
	_ =	sdelay $0x1  }
0xbb: {  	v3 =	vadd.s32 v1, v3;
	_ =	sdelay $0x3  }
0xbc: {  	s31 =	simm.s32 $0x12C00  }
0xbd: {  	[tilespmem:s31], [sflag:$0x3] =	stream.indirect_vreg.gather [hbm4b:s3+s2], $0x80, v3, vm0, $0xb8;
	[tilespmem:$0x14000] =	vst v63  }
.Ltmp2:
0xbe: {  	_ = 	snop;
	(pc) =	sbr.rel .LBB2_2-.Ltmp2, $4  }
0xbf: {  	s29 =	simm.s32 $0x0;
	s31 =	simm.s32 $0x13400  }
0xc0: {  	[tilespmem:s31], [sflag:$0x3] =	stream.indirect_vreg.gather [hbm4b:s5+s2], $0x80, v3, vm0, $0xb8;
	[tilespmem:$0x14000] =	vst v63  }
0xc1: {  	s30 =	simm.s32 $0x0;
	s26 =	simm.s32 $0xE8;
	s31 =	simm.s32 $0x13C00  }
0xc2: {  	[tilespmem:s31], [sflag:$0x3] =	stream.indirect_vreg.gather [hbm4b:s6+s2], $0x80, v3, vm1, $0xb8;
	[tilespmem:$0x14000] =	vst v63  }
.LBB2_5:
0xc3: {  	s29 =	sadd.s32 $0x2580, s29  }
0xc4: {  	p0 =	sne.s32 s29, $0x62700  }
.Ltmp3:
0xc5: {  	_ = 	snop;
	(pc) =	sbr.rel @!p0 .LBB2_6-.Ltmp3, $2  }
0xc6: {  	_ =	sdelay $0x2  }
0xc7: {  	s30 =	sadd.s32 $0x1, s30;
	s26 =	sadd.s32 $0x78, s26  }
.LBB2_2:
0xc8: {  	_ =	swait.ge [sflag:s20], $0x6400  }
0xc9: {  	[sflag:s20] =	ssyncset.done $0x0  }
0xca: {  	s31 =	sadd.s32 s29, s8;
	p0 =	seq.s32 s29, $0x60180;
	[sflag:s20] =	ssyncadd.s32 $0xFFFF9C00  }
0xcb: {  	[hbm4b:s31+s2] =	stream.linear.scatter [tilespmem:s12], [sflag:$0x4], $0x6400, $0x38;
	[tilespmem:$0x14000] =	vst v63  }
.Ltmp4:
0xcc: {  	_ = 	snop;
	(pc) =	sbr.rel @p0 .LBB2_6-.Ltmp4, $4  }
0xcd: {  	_ =	swait.ge [sflag:s21], $0x6400  }
0xce: {  	[sflag:s21] =	ssyncset.done $0x0  }
0xcf: {  	s31 =	sadd.s32 s29, s9;
	[sflag:s21] =	ssyncadd.s32 $0xFFFF9C00  }
0xd0: {  	[hbm4b:s31+s2] =	stream.linear.scatter [tilespmem:s28], [sflag:$0x5], $0x6400, $0x38;
	[tilespmem:$0x14000] =	vst v63  }
0xd1: {  	_ =	swait.ge [sflag:s22], $0x6400  }
0xd2: {  	[sflag:s22] =	ssyncset.done $0x0  }
0xd3: {  	[sflag:s22] =	ssyncadd.s32 $0xFFFF9C00  }
0xd4: {  	v3 =	vld [tilespmem:s26+$0xFFFFFF90];
	_ =	sdelay $0x4  }
0xd5: {  	v4 =	vshrl.u32 v3, $0x3  }
0xd6: {  	v4 =	vmul.u32 $0x28, v4  }
0xd7: {  	v3 =	vand.u32 $0x7, v3  }
0xd8: {  	v3 =	vor.u32 v3, v4  }
0xd9: {  	v4 =	vperm.xlane v3, v0;
	_ =	sdelay $0x1  }
0xda: {  	v4 =	vadd.s32 v1, v4;
	_ =	sdelay $0x3  }
0xdb: {  	v3 =	vperm.xlane v3, v2  }
0xdc: {  	[tilespmem:s12], [sflag:$0x1] =	stream.indirect_vreg.gather [hbm4b:s3+s2], $0x80, v4, vm0, $0xb8;
	[tilespmem:$0x14000] =	vst v63  }
0xdd: {  	s31 =	simm.s32 $0x1C00;
	v3 =	vadd.s32 v1, v3  }
0xde: {  	[tilespmem:s31], [sflag:$0x1] =	stream.indirect_vreg.gather [hbm4b:s5+s2], $0x80, v4, vm0, $0xb8;
	[tilespmem:$0x14000] =	vst v63  }
0xdf: {  	s31 =	simm.s32 $0x2400  }
0xe0: {  	[tilespmem:s31], [sflag:$0x1] =	stream.indirect_vreg.gather [hbm4b:s6+s2], $0x80, v4, vm1, $0xb8;
	[tilespmem:$0x14000] =	vst v63  }
0xe1: {  	s31 =	simm.s32 $0x2800  }
0xe2: {  	[tilespmem:s31], [sflag:$0x1] =	stream.indirect_vreg.gather [hbm4b:s3+s2], $0x80, v3, vm0, $0xb8;
	[tilespmem:$0x14000] =	vst v63  }
0xe3: {  	s31 =	simm.s32 $0x3000  }
0xe4: {  	[tilespmem:s31], [sflag:$0x1] =	stream.indirect_vreg.gather [hbm4b:s5+s2], $0x80, v3, vm0, $0xb8;
	[tilespmem:$0x14000] =	vst v63  }
0xe5: {  	s31 =	simm.s32 $0x3800  }
0xe6: {  	[tilespmem:s31], [sflag:$0x1] =	stream.indirect_vreg.gather [hbm4b:s6+s2], $0x80, v3, vm1, $0xb8;
	[tilespmem:$0x14000] =	vst v63  }
0xe7: {  	v3 =	vld [tilespmem:s26+$0xFFFFFFA0];
	_ =	sdelay $0x4  }
0xe8: {  	v59 =	vshrl.u32 v3, $0x3  }
0xe9: {  	v4 =	vmul.u32 $0x28, v59  }
0xea: {  	v3 =	vand.u32 $0x7, v3  }
0xeb: {  	v3 =	vor.u32 v3, v4  }
0xec: {  	v4 =	vperm.xlane v3, v0;
	_ =	sdelay $0x1  }
0xed: {  	v4 =	vadd.s32 v1, v4;
	_ =	sdelay $0x3  }
0xee: {  	s31 =	simm.s32 $0x3C00;
	v3 =	vperm.xlane v3, v2  }
0xef: {  	[tilespmem:s31], [sflag:$0x1] =	stream.indirect_vreg.gather [hbm4b:s3+s2], $0x80, v4, vm0, $0xb8;
	[tilespmem:$0x14000] =	vst v63  }
0xf0: {  	v3 =	vadd.s32 v1, v3;
	s31 =	simm.s32 $0x4400  }
0xf1: {  	[tilespmem:s31], [sflag:$0x1] =	stream.indirect_vreg.gather [hbm4b:s5+s2], $0x80, v4, vm0, $0xb8;
	[tilespmem:$0x14000] =	vst v63  }
0xf2: {  	s31 =	simm.s32 $0x4C00  }
0xf3: {  	[tilespmem:s31], [sflag:$0x1] =	stream.indirect_vreg.gather [hbm4b:s6+s2], $0x80, v4, vm1, $0xb8;
	[tilespmem:$0x14000] =	vst v63  }
0xf4: {  	s31 =	simm.s32 $0x5000  }
0xf5: {  	[tilespmem:s31], [sflag:$0x1] =	stream.indirect_vreg.gather [hbm4b:s3+s2], $0x80, v3, vm0, $0xb8;
	[tilespmem:$0x14000] =	vst v63  }
0xf6: {  	s31 =	simm.s32 $0x5800  }
0xf7: {  	[tilespmem:s31], [sflag:$0x1] =	stream.indirect_vreg.gather [hbm4b:s5+s2], $0x80, v3, vm0, $0xb8;
	[tilespmem:$0x14000] =	vst v63  }
0xf8: {  	s31 =	simm.s32 $0x6000  }
0xf9: {  	[tilespmem:s31], [sflag:$0x1] =	stream.indirect_vreg.gather [hbm4b:s6+s2], $0x80, v3, vm1, $0xb8;
	[tilespmem:$0x14000] =	vst v63  }
0xfa: {  	v3 =	vld.msk [tilespmem:s26+$0xFFFFFFB0], $0xff;
	_ =	sdelay $0x4  }
0xfb: {  	v60 =	vshrl.u32 v3, $0x3  }
0xfc: {  	v4 =	vmul.u32 $0x28, v60  }
0xfd: {  	v3 =	vand.u32 $0x7, v3  }
0xfe: {  	v3 =	vor.u32 v3, v4  }
0xff: {  	v3 =	vperm.xlane v3, v0;
	_ =	sdelay $0x1  }
0x100: {  	v3 =	vadd.s32 v1, v3;
	_ =	sdelay $0x3  }
0x101: {  	s31 =	simm.s32 $0x6400  }
0x102: {  	[tilespmem:s31], [sflag:$0x1] =	stream.indirect_vreg.gather [hbm4b:s3+s2], $0x80, v3, vm0, $0xb8;
	[tilespmem:$0x14000] =	vst v63  }
0x103: {  	s31 =	simm.s32 $0x6C00  }
0x104: {  	[tilespmem:s31], [sflag:$0x1] =	stream.indirect_vreg.gather [hbm4b:s5+s2], $0x80, v3, vm0, $0xb8;
	[tilespmem:$0x14000] =	vst v63  }
0x105: {  	s31 =	simm.s32 $0x7400  }
0x106: {  	[tilespmem:s31], [sflag:$0x1] =	stream.indirect_vreg.gather [hbm4b:s6+s2], $0x80, v3, vm1, $0xb8;
	[tilespmem:$0x14000] =	vst v63  }
0x107: {  	_ =	swait.ge [sflag:s25], $0x6400  }
0x108: {  	[sflag:s25] =	ssyncset.done $0x0  }
0x109: {  	s31 =	sadd.s32 s29, s10;
	[sflag:s25] =	ssyncadd.s32 $0xFFFF9C00  }
0x10a: {  	[hbm4b:s31+s2] =	stream.linear.scatter [tilespmem:s19], [sflag:$0x6], $0x6400, $0x38;
	[tilespmem:$0x14000] =	vst v63  }
0x10b: {  	_ =	swait.ge [sflag:s23], $0x6400  }
0x10c: {  	[sflag:s23] =	ssyncset.done $0x0  }
0x10d: {  	[sflag:s23] =	ssyncadd.s32 $0xFFFF9C00  }
0x10e: {  	v3 =	vld [tilespmem:s26+$0xFFFFFFB8];
	_ =	sdelay $0x4  }
0x10f: {  	v61 =	vshrl.u32 v3, $0x3  }
0x110: {  	v4 =	vmul.u32 $0x28, v61  }
0x111: {  	v3 =	vand.u32 $0x7, v3  }
0x112: {  	v3 =	vor.u32 v3, v4  }
0x113: {  	v4 =	vperm.xlane v3, v0;
	_ =	sdelay $0x1  }
0x114: {  	v4 =	vadd.s32 v1, v4;
	_ =	sdelay $0x3  }
0x115: {  	v3 =	vperm.xlane v3, v2  }
0x116: {  	[tilespmem:s28], [sflag:$0x2] =	stream.indirect_vreg.gather [hbm4b:s3+s2], $0x80, v4, vm0, $0xb8;
	[tilespmem:$0x14000] =	vst v63  }
0x117: {  	s31 =	simm.s32 $0x8000;
	v3 =	vadd.s32 v1, v3  }
0x118: {  	[tilespmem:s31], [sflag:$0x2] =	stream.indirect_vreg.gather [hbm4b:s5+s2], $0x80, v4, vm0, $0xb8;
	[tilespmem:$0x14000] =	vst v63  }
0x119: {  	s31 =	simm.s32 $0x8800  }
0x11a: {  	[tilespmem:s31], [sflag:$0x2] =	stream.indirect_vreg.gather [hbm4b:s6+s2], $0x80, v4, vm1, $0xb8;
	[tilespmem:$0x14000] =	vst v63  }
0x11b: {  	s31 =	simm.s32 $0x8C00  }
0x11c: {  	[tilespmem:s31], [sflag:$0x2] =	stream.indirect_vreg.gather [hbm4b:s3+s2], $0x80, v3, vm0, $0xb8;
	[tilespmem:$0x14000] =	vst v63  }
0x11d: {  	_ = 	snop  }
0x11e: {  	[tilespmem:s0], [sflag:$0x2] =	stream.indirect_vreg.gather [hbm4b:s5+s2], $0x80, v3, vm0, $0xb8;
	[tilespmem:$0x14000] =	vst v63  }
0x11f: {  	_ = 	snop  }
0x120: {  	[tilespmem:s1], [sflag:$0x2] =	stream.indirect_vreg.gather [hbm4b:s6+s2], $0x80, v3, vm1, $0xb8;
	[tilespmem:$0x14000] =	vst v63  }
0x121: {  	v3 =	vld [tilespmem:s26+$0xFFFFFFC8];
	_ =	sdelay $0x4  }
0x122: {  	v62 =	vshrl.u32 v3, $0x3  }
0x123: {  	v4 =	vmul.u32 $0x28, v62  }
0x124: {  	v3 =	vand.u32 $0x7, v3  }
0x125: {  	v3 =	vor.u32 v3, v4  }
0x126: {  	v4 =	vperm.xlane v3, v0;
	_ =	sdelay $0x1  }
0x127: {  	v4 =	vadd.s32 v1, v4;
	_ =	sdelay $0x3  }
0x128: {  	v3 =	vperm.xlane v3, v2  }
0x129: {  	[tilespmem:s4], [sflag:$0x2] =	stream.indirect_vreg.gather [hbm4b:s3+s2], $0x80, v4, vm0, $0xb8;
	[tilespmem:$0x14000] =	vst v63  }
0x12a: {  	v3 =	vadd.s32 v1, v3  }
0x12b: {  	[tilespmem:s7], [sflag:$0x2] =	stream.indirect_vreg.gather [hbm4b:s5+s2], $0x80, v4, vm0, $0xb8;
	[tilespmem:$0x14000] =	vst v63  }
0x12c: {  	_ = 	snop  }
0x12d: {  	[tilespmem:s11], [sflag:$0x2] =	stream.indirect_vreg.gather [hbm4b:s6+s2], $0x80, v4, vm1, $0xb8;
	[tilespmem:$0x14000] =	vst v63  }
0x12e: {  	_ = 	snop  }
0x12f: {  	[tilespmem:s13], [sflag:$0x2] =	stream.indirect_vreg.gather [hbm4b:s3+s2], $0x80, v3, vm0, $0xb8;
	[tilespmem:$0x14000] =	vst v63  }
0x130: {  	_ = 	snop  }
0x131: {  	[tilespmem:s14], [sflag:$0x2] =	stream.indirect_vreg.gather [hbm4b:s5+s2], $0x80, v3, vm0, $0xb8;
	[tilespmem:$0x14000] =	vst v63  }
0x132: {  	_ = 	snop  }
0x133: {  	[tilespmem:s15], [sflag:$0x2] =	stream.indirect_vreg.gather [hbm4b:s6+s2], $0x80, v3, vm1, $0xb8;
	[tilespmem:$0x14000] =	vst v63  }
0x134: {  	v3 =	vld.msk [tilespmem:s26+$0xFFFFFFD8], $0xff;
	_ =	sdelay $0x4  }
0x135: {  	v63 =	vshrl.u32 v3, $0x3  }
0x136: {  	v4 =	vmul.u32 $0x28, v63  }
0x137: {  	v3 =	vand.u32 $0x7, v3  }
0x138: {  	v3 =	vor.u32 v3, v4  }
0x139: {  	v3 =	vperm.xlane v3, v0;
	_ =	sdelay $0x1  }
0x13a: {  	v3 =	vadd.s32 v1, v3;
	_ =	sdelay $0x3  }
0x13b: {  	p0 =	sgt.u32 s30, $0x27  }
0x13c: {  	[tilespmem:s16], [sflag:$0x2] =	stream.indirect_vreg.gather [hbm4b:s3+s2], $0x80, v3, vm0, $0xb8;
	[tilespmem:$0x14000] =	vst v63  }
.Ltmp5:
0x13d: {  	_ = 	snop;
	(pc) =	sbr.rel @p0 .LBB2_5-.Ltmp5, $4  }
0x13e: {  	_ = 	snop  }
0x13f: {  	[tilespmem:s17], [sflag:$0x2] =	stream.indirect_vreg.gather [hbm4b:s5+s2], $0x80, v3, vm0, $0xb8;
	[tilespmem:$0x14000] =	vst v63  }
0x140: {  	_ = 	snop  }
0x141: {  	[tilespmem:s18], [sflag:$0x2] =	stream.indirect_vreg.gather [hbm4b:s6+s2], $0x80, v3, vm1, $0xb8;
	[tilespmem:$0x14000] =	vst v63  }
0x142: {  	_ =	swait.ge [sflag:s24], $0x6400  }
0x143: {  	[sflag:s24] =	ssyncset.done $0x0  }
0x144: {  	[sflag:s24] =	ssyncadd.s32 $0xFFFF9C00  }
0x145: {  	v3 =	vld [tilespmem:s26+$0xFFFFFFE0];
	_ =	sdelay $0x4  }
0x146: {  	v4 =	vshrl.u32 v3, $0x3  }
0x147: {  	v4 =	vmul.u32 $0x28, v4  }
0x148: {  	v3 =	vand.u32 $0x7, v3  }
0x149: {  	v3 =	vor.u32 v3, v4  }
0x14a: {  	v4 =	vperm.xlane v3, v0;
	_ =	sdelay $0x1  }
0x14b: {  	v4 =	vadd.s32 v1, v4;
	_ =	sdelay $0x3  }
0x14c: {  	v3 =	vperm.xlane v3, v2  }
0x14d: {  	[tilespmem:s19], [sflag:$0x3] =	stream.indirect_vreg.gather [hbm4b:s3+s2], $0x80, v4, vm0, $0xb8;
	[tilespmem:$0x14000] =	vst v63  }
0x14e: {  	s31 =	simm.s32 $0xE400;
	v3 =	vadd.s32 v1, v3  }
0x14f: {  	[tilespmem:s31], [sflag:$0x3] =	stream.indirect_vreg.gather [hbm4b:s5+s2], $0x80, v4, vm0, $0xb8;
	[tilespmem:$0x14000] =	vst v63  }
0x150: {  	s31 =	simm.s32 $0xEC00  }
0x151: {  	[tilespmem:s31], [sflag:$0x3] =	stream.indirect_vreg.gather [hbm4b:s6+s2], $0x80, v4, vm1, $0xb8;
	[tilespmem:$0x14000] =	vst v63  }
0x152: {  	s31 =	simm.s32 $0xF000  }
0x153: {  	[tilespmem:s31], [sflag:$0x3] =	stream.indirect_vreg.gather [hbm4b:s3+s2], $0x80, v3, vm0, $0xb8;
	[tilespmem:$0x14000] =	vst v63  }
0x154: {  	s31 =	simm.s32 $0xF800  }
0x155: {  	[tilespmem:s31], [sflag:$0x3] =	stream.indirect_vreg.gather [hbm4b:s5+s2], $0x80, v3, vm0, $0xb8;
	[tilespmem:$0x14000] =	vst v63  }
0x156: {  	s31 =	simm.s32 $0x10000  }
0x157: {  	[tilespmem:s31], [sflag:$0x3] =	stream.indirect_vreg.gather [hbm4b:s6+s2], $0x80, v3, vm1, $0xb8;
	[tilespmem:$0x14000] =	vst v63  }
0x158: {  	v3 =	vld [tilespmem:s26+$0xFFFFFFF0];
	_ =	sdelay $0x4  }
0x159: {  	v62 =	vshrl.u32 v3, $0x3  }
0x15a: {  	v4 =	vmul.u32 $0x28, v62  }
0x15b: {  	v3 =	vand.u32 $0x7, v3  }
0x15c: {  	v3 =	vor.u32 v3, v4  }
0x15d: {  	v4 =	vperm.xlane v3, v0;
	_ =	sdelay $0x1  }
0x15e: {  	v4 =	vadd.s32 v1, v4;
	_ =	sdelay $0x3  }
0x15f: {  	s31 =	simm.s32 $0x10400;
	v3 =	vperm.xlane v3, v2  }
0x160: {  	[tilespmem:s31], [sflag:$0x3] =	stream.indirect_vreg.gather [hbm4b:s3+s2], $0x80, v4, vm0, $0xb8;
	[tilespmem:$0x14000] =	vst v63  }
0x161: {  	v3 =	vadd.s32 v1, v3;
	s31 =	simm.s32 $0x10C00  }
0x162: {  	[tilespmem:s31], [sflag:$0x3] =	stream.indirect_vreg.gather [hbm4b:s5+s2], $0x80, v4, vm0, $0xb8;
	[tilespmem:$0x14000] =	vst v63  }
0x163: {  	s31 =	simm.s32 $0x11400  }
0x164: {  	[tilespmem:s31], [sflag:$0x3] =	stream.indirect_vreg.gather [hbm4b:s6+s2], $0x80, v4, vm1, $0xb8;
	[tilespmem:$0x14000] =	vst v63  }
0x165: {  	s31 =	simm.s32 $0x11800  }
0x166: {  	[tilespmem:s31], [sflag:$0x3] =	stream.indirect_vreg.gather [hbm4b:s3+s2], $0x80, v3, vm0, $0xb8;
	[tilespmem:$0x14000] =	vst v63  }
0x167: {  	s31 =	simm.s32 $0x12000  }
0x168: {  	[tilespmem:s31], [sflag:$0x3] =	stream.indirect_vreg.gather [hbm4b:s5+s2], $0x80, v3, vm0, $0xb8;
	[tilespmem:$0x14000] =	vst v63  }
0x169: {  	s31 =	simm.s32 $0x12800  }
0x16a: {  	[tilespmem:s31], [sflag:$0x3] =	stream.indirect_vreg.gather [hbm4b:s6+s2], $0x80, v3, vm1, $0xb8;
	[tilespmem:$0x14000] =	vst v63  }
0x16b: {  	v3 =	vld.msk [tilespmem:s26+$0x0], $0xff;
	_ =	sdelay $0x4  }
0x16c: {  	v63 =	vshrl.u32 v3, $0x3  }
0x16d: {  	v4 =	vmul.u32 $0x28, v63  }
0x16e: {  	v3 =	vand.u32 $0x7, v3  }
0x16f: {  	v3 =	vor.u32 v3, v4  }
0x170: {  	v3 =	vperm.xlane v3, v0;
	_ =	sdelay $0x1  }
0x171: {  	v3 =	vadd.s32 v1, v3;
	_ =	sdelay $0x3  }
0x172: {  	s31 =	simm.s32 $0x12C00  }
0x173: {  	[tilespmem:s31], [sflag:$0x3] =	stream.indirect_vreg.gather [hbm4b:s3+s2], $0x80, v3, vm0, $0xb8;
	[tilespmem:$0x14000] =	vst v63  }
.Ltmp6:
0x174: {  	_ = 	snop;
	(pc) =	sbr.rel .LBB2_5-.Ltmp6, $4  }
0x175: {  	s31 =	simm.s32 $0x13400  }
0x176: {  	[tilespmem:s31], [sflag:$0x3] =	stream.indirect_vreg.gather [hbm4b:s5+s2], $0x80, v3, vm0, $0xb8;
	[tilespmem:$0x14000] =	vst v63  }
0x177: {  	s31 =	simm.s32 $0x13C00  }
0x178: {  	[tilespmem:s31], [sflag:$0x3] =	stream.indirect_vreg.gather [hbm4b:s6+s2], $0x80, v3, vm1, $0xb8;
	[tilespmem:$0x14000] =	vst v63  }
.LBB2_7:
0x179: {  	_ =	sfence.sel $0x180000  }
0x17a: {  	[bflag:$0x0] =	sbarrier.arrive $0xFFFF  }
0x17b: {  	_ =	strace $0x90000047  }
0x17c: {  	s0 =	stileid.u32;
	[bflag:$0x2] =	sbarrier.arrive $0xFFFF  }
0x17d: {  	p0 =	sne.s32 s0, $0x0;
	s0 =	rddreg [dreg:$0x2]  }
0x17e: {  	s0 =	sadd.s32 @!p0 $0x100000, s0  }
0x17f: {  	[sflag:s0] =	ssyncadd.tile.s32 @!p0 $0x1;
	_ =	shalt  }
.Lfunc_end2:
_tile_overlayer_lowered:
.L_overlay_start_2:
0x180: {  	(tag) =	ssettag $0x2  }
0x181: {  	s0 =	rddreg [dreg:$0x0];
	s2 =	stileid.u32  }
0x182: {  	s1 =	rddreg [dreg:$0x1];
	p0 =	sne.s32 s2, $0x0  }
0x183: {  	s3 =	rddreg [dreg:$0x2];
	[bflag:$0x3] =	sbarrier.arrive $0xFFFF;
	s2 =	simm.s32 @!p0 $0x1C07  }
0x184: {  	[timem:s3], [sflag:s2] =	dma.local @!p0 [hbm:s0], s1  }
0x185: {  	s0 =	simm.s32 @!p0 $0x7  }
0x186: {  	_ =	swait.ge @!p0 [sflag:s0], s1  }
0x187: {  	s1 =	ssub.s32 @!p0 $0x0, s1;
	[sflag:s0] =	ssyncset.done @!p0 $0x0  }
0x188: {  	[sflag:s0] =	ssyncadd.s32 @!p0 s1  }
0x189: {  	[bflag:$0x3] =	sbarrier.arrive $0xFFFF  }
0x18a: {  	_ =	shalt  }

</sc_bundles>
